<compile_context>
chip_gen: v7x
topology: tpu7x:2x2x1
jax: 0.10.2.dev20260603
libtpu: 0.0.44.dev20260713+nightly
codegen_flags: <defaults>
</compile_context>

<pallas_src>
import functools

import jax
import jax.numpy as jnp
from jax import lax
from jax.experimental import pallas as pl
from jax.experimental.pallas import tpu as pltpu
from jax.experimental.pallas import tpu_sc as plsc

N = 10000
E = 320000
D = 128
MSG = 2 * D + 6
MSGP = 288
H = MSGP // 2
NC = 2
NS = 16
EPT = E // NS
B = 80
NBLK = EPT // B
NP = 10240
TROWS = NP // NS
ZROWS = 128

BN = 1000
BE = 4000


def _pre_node_body(h_ref, wd_ref, ws_ref, gd_ref, gs_ref):
    hb = h_ref[...]
    gd_ref[...] = lax.dot_general(hb, wd_ref[0], (((1,), (1,)), ((), ())),
                                  preferred_element_type=jnp.float32)
    gs_ref[...] = lax.dot_general(hb, ws_ref[0], (((1,), (1,)), ((), ())),
                                  preferred_element_type=jnp.float32)


def _pre_edge_body(e_ref, we_ref, ee_ref):
    ee_ref[...] = lax.dot_general(e_ref[...], we_ref[0], (((1,), (1,)), ((), ())),
                                  preferred_element_type=jnp.float32)


def _sc_body(gd_hbm, gs_hbm, ee_hbm, src_hbm, dst_hbm, s2_hbm,
             dst_v, srcg_v, dstg_v, gd_v, gs_v, ee_v, acc, sem1, sem2):
    c = lax.axis_index("c")
    s = lax.axis_index("s")
    coff = c * N

    def zrow(j, _):
        for k in range(H // 16):
            ee_v[j, pl.ds(16 * k, 16)] = jnp.zeros((16,), jnp.float32)
        return 0
    lax.fori_loop(0, B, zrow, 0)
    for k in range(TROWS // B):
        pltpu.sync_copy(ee_v, acc.at[pl.ds(s * TROWS + k * B, B)])
    plsc.subcore_barrier()

    def block(b, _):
        i0 = s * EPT + b * B
        pltpu.sync_copy(dst_hbm.at[pl.ds(i0, B)], dst_v)
        pltpu.sync_copy(src_hbm.at[pl.ds(i0, B)], srcg_v)
        offv = jnp.full((16,), coff, jnp.int32)
        for k in range(B // 16):
            sl = pl.ds(16 * k, 16)
            dstg_v[sl] = dst_v[sl] + offv
            srcg_v[sl] = srcg_v[sl] + offv
        cp1 = pltpu.async_copy(gd_hbm.at[dstg_v], gd_v, sem1)
        cp2 = pltpu.async_copy(gs_hbm.at[srcg_v], gs_v, sem2)
        pltpu.sync_copy(ee_hbm.at[pl.ds(c * E + i0, B)], ee_v)
        cp1.wait()
        cp2.wait()

        def row(j, _):
            for k in range(H // 16):
                sl = pl.ds(16 * k, 16)
                x = gd_v[j, sl] + gs_v[j, sl] + ee_v[j, sl]
                gd_v[j, sl] = jnp.maximum(x, 0.0)
            return 0
        lax.fori_loop(0, B, row, 0)
        pltpu.sync_copy(gd_v, acc.at[dst_v], add=True)
        return 0

    lax.fori_loop(0, NBLK, block, 0)
    plsc.subcore_barrier()
    for k in range(TROWS // ZROWS):
        r0 = s * TROWS + k * ZROWS
        pltpu.sync_copy(acc.at[pl.ds(r0, ZROWS)],
                        s2_hbm.at[pl.ds(c * NP + r0, ZROWS)])


def _post_body(s0_ref, s1_ref, h_ref, sn_ref, w20_ref, w21_ref,
               wih_ref, whh_ref, g_ref, b_ref, out_ref):
    dn = (((1,), (1,)), ((), ()))
    a_v = (lax.dot_general(s0_ref[...], w20_ref[...], dn,
                           preferred_element_type=jnp.float32) +
           lax.dot_general(s1_ref[...], w21_ref[...], dn,
                           preferred_element_type=jnp.float32))
    gi = lax.dot_general(a_v, wih_ref[...], dn,
                         preferred_element_type=jnp.float32)
    hb = h_ref[...]
    gh = lax.dot_general(hb, whh_ref[...], dn,
                         preferred_element_type=jnp.float32)
    r = jax.nn.sigmoid(gi[:, :D] + gh[:, :D])
    z = jax.nn.sigmoid(gi[:, D:2 * D] + gh[:, D:2 * D])
    n = jnp.tanh(gi[:, 2 * D:] + r * gh[:, 2 * D:])
    h_new = (1.0 - z) * n + z * hb
    h_new = h_new * sn_ref[...]
    mu = jnp.mean(h_new, axis=-1, keepdims=True)
    var = jnp.mean((h_new - mu) ** 2, axis=-1, keepdims=True)
    h_new = (h_new - mu) * lax.rsqrt(var + 1e-5) * g_ref[...] + b_ref[...]
    out_ref[...] = jnp.maximum(h_new, 0.0)


def kernel(h, edge_index, e, snorm_n, snorm_e, W_e1, W_e2, W_ih, W_hh,
           ln_gamma, ln_beta):
    src = edge_index[0]
    dst = edge_index[1]

    W1p = jnp.pad(W_e1, ((0, MSGP - MSG), (0, 0)))
    W1d = W1p[:, :D].reshape(NC, H, D)
    W1s = W1p[:, D:2 * D].reshape(NC, H, D)
    W1e = jnp.pad(W1p[:, 2 * D:], ((0, 0), (0, 2))).reshape(NC, H, 8)
    ep = jnp.pad(e, ((0, 0), (0, 2)))
    W2p = jnp.pad(W_e2, ((0, 0), (0, MSGP - MSG)))
    W20 = W2p[:, :H]
    W21 = W2p[:, H:]

    gd2, gs2 = pl.pallas_call(
        _pre_node_body,
        grid=(NC, N // BN),
        in_specs=[
            pl.BlockSpec((BN, D), lambda c, nb: (nb, 0)),
            pl.BlockSpec((1, H, D), lambda c, nb: (c, 0, 0)),
            pl.BlockSpec((1, H, D), lambda c, nb: (c, 0, 0)),
        ],
        out_specs=[
            pl.BlockSpec((BN, H), lambda c, nb: (c * (N // BN) + nb, 0)),
            pl.BlockSpec((BN, H), lambda c, nb: (c * (N // BN) + nb, 0)),
        ],
        out_shape=[
            jax.ShapeDtypeStruct((NC * N, H), jnp.float32),
            jax.ShapeDtypeStruct((NC * N, H), jnp.float32),
        ],
    )(h, W1d, W1s)

    ee2 = pl.pallas_call(
        _pre_edge_body,
        grid=(NC, E // BE),
        in_specs=[
            pl.BlockSpec((BE, 8), lambda c, eb: (eb, 0)),
            pl.BlockSpec((1, H, 8), lambda c, eb: (c, 0, 0)),
        ],
        out_specs=pl.BlockSpec((BE, H), lambda c, eb: (c * (E // BE) + eb, 0)),
        out_shape=jax.ShapeDtypeStruct((NC * E, H), jnp.float32),
    )(ep, W1e)

    mesh = plsc.VectorSubcoreMesh(core_axis_name="c", subcore_axis_name="s")
    s2 = pl.kernel(
        _sc_body,
        out_type=jax.ShapeDtypeStruct((NC * NP, H), jnp.float32),
        mesh=mesh,
        scratch_types=[
            pltpu.VMEM((B,), jnp.int32),
            pltpu.VMEM((B,), jnp.int32),
            pltpu.VMEM((B,), jnp.int32),
            pltpu.VMEM((B, H), jnp.float32),
            pltpu.VMEM((B, H), jnp.float32),
            pltpu.VMEM((B, H), jnp.float32),
            pltpu.VMEM_SHARED((NP, H), jnp.float32),
            pltpu.SemaphoreType.DMA,
            pltpu.SemaphoreType.DMA,
        ],
        compiler_params=pltpu.CompilerParams(use_tc_tiling_on_sc=False),
    )(gd2, gs2, ee2, src, dst)
    s0 = s2[:N]
    s1 = s2[NP:NP + N]

    h_new = pl.pallas_call(
        _post_body,
        grid=(N // BN,),
        in_specs=[
            pl.BlockSpec((BN, H), lambda nb: (nb, 0)),
            pl.BlockSpec((BN, H), lambda nb: (nb, 0)),
            pl.BlockSpec((BN, D), lambda nb: (nb, 0)),
            pl.BlockSpec((BN, 1), lambda nb: (nb, 0)),
            pl.BlockSpec((D, H), lambda nb: (0, 0)),
            pl.BlockSpec((D, H), lambda nb: (0, 0)),
            pl.BlockSpec((3 * D, D), lambda nb: (0, 0)),
            pl.BlockSpec((3 * D, D), lambda nb: (0, 0)),
            pl.BlockSpec((1, D), lambda nb: (0, 0)),
            pl.BlockSpec((1, D), lambda nb: (0, 0)),
        ],
        out_specs=pl.BlockSpec((BN, D), lambda nb: (nb, 0)),
        out_shape=jax.ShapeDtypeStruct((N, D), jnp.float32),
    )(s0, s1, h, snorm_n, W20, W21, W_ih, W_hh,
      ln_gamma.reshape(1, D), ln_beta.reshape(1, D))

    return (h_new, e)

# --- scband reference (transcript-rebuilt; emitter-appended) ---
"""Pipeline reference for scband-ggnnlayer-69784628625698 (READ-ONLY COPY).

The authoritative reference and input builder live on the scoring server;
editing this copy changes nothing except your own understanding.
"""

import jax, jax.numpy as jnp
import numpy as np

N = 10000
E = 320000
D = 128
MSG = 2 * D + 6  # 262


def setup_inputs(seed: int = 0) -> dict:
    key = jax.random.key(seed)
    ks = jax.random.split(key, 12)
    h = jax.random.normal(ks[0], (N, D), dtype=jnp.float32)
    edge_index = jax.random.randint(ks[1], (2, E), 0, N, dtype=jnp.int32)
    e = jax.random.normal(ks[2], (E, 6), dtype=jnp.float32)
    snorm_n = jax.random.uniform(ks[3], (N, 1), dtype=jnp.float32)
    snorm_e = jax.random.uniform(ks[4], (E, 1), dtype=jnp.float32)
    # learned params (Linear weights stored as [out, in] like torch)
    W_e1 = jax.random.normal(ks[5], (MSG, MSG), dtype=jnp.float32) / np.sqrt(MSG)
    W_e2 = jax.random.normal(ks[6], (D, MSG), dtype=jnp.float32) / np.sqrt(MSG)
    W_ih = jax.random.normal(ks[7], (3 * D, D), dtype=jnp.float32) / np.sqrt(D)
    W_hh = jax.random.normal(ks[8], (3 * D, D), dtype=jnp.float32) / np.sqrt(D)
    ln_gamma = jnp.ones((D,), dtype=jnp.float32)
    ln_beta = jnp.zeros((D,), dtype=jnp.float32)
    return {"h": h, "edge_index": edge_index, "e": e, "snorm_n": snorm_n,
            "snorm_e": snorm_e, "W_e1": W_e1, "W_e2": W_e2, "W_ih": W_ih,
            "W_hh": W_hh, "ln_gamma": ln_gamma, "ln_beta": ln_beta}


def reference(h, edge_index, e, snorm_n, snorm_e, W_e1, W_e2, W_ih, W_hh, ln_gamma, ln_beta):
    src = edge_index[0]
    dst = edge_index[1]
    # message: m = [h_src, e]; reduce concatenates h_dst in front: [h_dst, h_src, e]
    h_src = jnp.take(h, src, axis=0)
    h_dst = jnp.take(h, dst, axis=0)
    h1_h0_e = jnp.concatenate([h_dst, h_src, e], axis=1)  # [E, 2D+6]
    a = jax.nn.relu(h1_h0_e @ W_e1.T)
    a = a @ W_e2.T  # [E, D]
    # sum over incoming edges per destination node (DGL reduce sum)
    a_v = jax.ops.segment_sum(a, dst, num_segments=N)  # [N, D]
    # single-step GRU (bias=False), torch gate ordering r,z,n
    gi = a_v @ W_ih.T  # [N, 3D]
    gh = h @ W_hh.T    # [N, 3D]
    i_r, i_z, i_n = jnp.split(gi, 3, axis=1)
    h_r, h_z, h_n = jnp.split(gh, 3, axis=1)
    r = jax.nn.sigmoid(i_r + h_r)
    z = jax.nn.sigmoid(i_z + h_z)
    n = jnp.tanh(i_n + r * h_n)
    h_new = (1.0 - z) * n + z * h
    # graph_norm
    h_new = h_new * snorm_n
    # layer_norm
    mu = jnp.mean(h_new, axis=-1, keepdims=True)
    var = jnp.var(h_new, axis=-1, keepdims=True)
    h_new = (h_new - mu) / jnp.sqrt(var + 1e-5) * ln_gamma + ln_beta
    h_new = jax.nn.relu(h_new)
    # dropout p=0.0 / eval mode -> identity
    return (h_new, e)

if __name__ == "__main__":
    import jax
    _d = setup_inputs()
    print(jax.jit(kernel)(*tuple(_d.values())))

</pallas_src>

<mosaic_0001>
#map = affine_map<(d0, d1) -> (0, 0)>
#map1 = affine_map<(d0, d1) -> (0)>
module attributes {stable_mosaic.version = 14 : i64} {
  func.func @_sc_body(%arg0: i32, %arg1: i32, %arg2: memref<20000x144xf32, #tpu.memory_space<hbm>>, %arg3: memref<20000x144xf32, #tpu.memory_space<hbm>>, %arg4: memref<640000x144xf32, #tpu.memory_space<hbm>>, %arg5: memref<320000xi32, #tpu.memory_space<hbm>>, %arg6: memref<320000xi32, #tpu.memory_space<hbm>>, %arg7: memref<20480x144xf32, #tpu.memory_space<hbm>>, %arg8: memref<80xi32, #tpu.memory_space<vmem>>, %arg9: memref<80xi32, #tpu.memory_space<vmem>>, %arg10: memref<80xi32, #tpu.memory_space<vmem>>, %arg11: memref<80x144xf32, #tpu.memory_space<vmem>>, %arg12: memref<80x144xf32, #tpu.memory_space<vmem>>, %arg13: memref<80x144xf32, #tpu.memory_space<vmem>>, %arg14: memref<10240x144xf32, #tpu.memory_space<vmem_shared>>, %arg15: memref<!tpu.dma_semaphore, #tpu.memory_space<semaphore_mem>>, %arg16: memref<!tpu.dma_semaphore, #tpu.memory_space<semaphore_mem>>) attributes {dimension_semantics = [#tpu.dimension_semantics<core_parallel>, #tpu.dimension_semantics<subcore_parallel>], iteration_bounds = array<i64: 2, 16>, scalar_prefetch = 0 : i64, scratch_operands = 9 : i64, tpu.core_type = #tpu.core_type<sc_vector_subcore>, window_params = [{transform_indices = #map}, {transform_indices = #map}, {transform_indices = #map}, {transform_indices = #map1}, {transform_indices = #map1}, {transform_indices = #map}]} {
    %mul3A = arith.constant 10000 : i32
    %mul3A_0 = arith.muli %arg0, %mul3A : i32
    %scan3A = arith.constant 0 : i32
    %scan3A_1 = arith.constant 0 : i32
    %scan3A_2 = arith.constant 80 : i32
    %scan3A_3 = arith.addi %scan3A_1, %scan3A_2 : i32
    %scan3A_4 = arith.constant 1 : i32
    %scan3A_5 = scf.for %scan3A_81 = %scan3A_1 to %scan3A_3 step %scan3A_4 iter_args(%scan3A_82 = %scan3A) -> (i32)  : i32 {
      %broadcast_in_dim3A = arith.constant 0.000000e+00 : f32
      %broadcast_in_dim3A_83 = vector.broadcast %broadcast_in_dim3A : f32 to vector<16xf32>
      %swap3A = arith.index_cast %scan3A_81 : i32 to index
      %swap3A_84 = arith.constant 0 : index
      %swap3A_85 = tpu.vector_load %arg13[%swap3A, %swap3A_84] {strides = array<i32>} : memref<80x144xf32, #tpu.memory_space<vmem>>, vector<1x16xf32>,
      %swap3A_86 = vector.shape_cast %swap3A_85 : vector<1x16xf32> to vector<16xf32>
      %swap3A_87 = vector.shape_cast %broadcast_in_dim3A_83 : vector<16xf32> to vector<1x16xf32>
      tpu.vector_store %arg13[%swap3A, %swap3A_84], %swap3A_87 {strides = array<i32>} : memref<80x144xf32, #tpu.memory_space<vmem>>, vector<1x16xf32>,
      %broadcast_in_dim3A_88 = arith.constant 0.000000e+00 : f32
      %broadcast_in_dim3A_89 = vector.broadcast %broadcast_in_dim3A_88 : f32 to vector<16xf32>
      %swap3A_90 = arith.index_cast %scan3A_81 : i32 to index
      %swap3A_91 = arith.constant 16 : index
      %swap3A_92 = tpu.vector_load %arg13[%swap3A_90, %swap3A_91] {strides = array<i32>} : memref<80x144xf32, #tpu.memory_space<vmem>>, vector<1x16xf32>,
      %swap3A_93 = vector.shape_cast %swap3A_92 : vector<1x16xf32> to vector<16xf32>
      %swap3A_94 = vector.shape_cast %broadcast_in_dim3A_89 : vector<16xf32> to vector<1x16xf32>
      tpu.vector_store %arg13[%swap3A_90, %swap3A_91], %swap3A_94 {strides = array<i32>} : memref<80x144xf32, #tpu.memory_space<vmem>>, vector<1x16xf32>,
      %broadcast_in_dim3A_95 = arith.constant 0.000000e+00 : f32
      %broadcast_in_dim3A_96 = vector.broadcast %broadcast_in_dim3A_95 : f32 to vector<16xf32>
      %swap3A_97 = arith.index_cast %scan3A_81 : i32 to index
      %swap3A_98 = arith.constant 32 : index
      %swap3A_99 = tpu.vector_load %arg13[%swap3A_97, %swap3A_98] {strides = array<i32>} : memref<80x144xf32, #tpu.memory_space<vmem>>, vector<1x16xf32>,
      %swap3A_100 = vector.shape_cast %swap3A_99 : vector<1x16xf32> to vector<16xf32>
      %swap3A_101 = vector.shape_cast %broadcast_in_dim3A_96 : vector<16xf32> to vector<1x16xf32>
      tpu.vector_store %arg13[%swap3A_97, %swap3A_98], %swap3A_101 {strides = array<i32>} : memref<80x144xf32, #tpu.memory_space<vmem>>, vector<1x16xf32>,
      %broadcast_in_dim3A_102 = arith.constant 0.000000e+00 : f32
      %broadcast_in_dim3A_103 = vector.broadcast %broadcast_in_dim3A_102 : f32 to vector<16xf32>
      %swap3A_104 = arith.index_cast %scan3A_81 : i32 to index
      %swap3A_105 = arith.constant 48 : index
      %swap3A_106 = tpu.vector_load %arg13[%swap3A_104, %swap3A_105] {strides = array<i32>} : memref<80x144xf32, #tpu.memory_space<vmem>>, vector<1x16xf32>,
      %swap3A_107 = vector.shape_cast %swap3A_106 : vector<1x16xf32> to vector<16xf32>
      %swap3A_108 = vector.shape_cast %broadcast_in_dim3A_103 : vector<16xf32> to vector<1x16xf32>
      tpu.vector_store %arg13[%swap3A_104, %swap3A_105], %swap3A_108 {strides = array<i32>} : memref<80x144xf32, #tpu.memory_space<vmem>>, vector<1x16xf32>,
      %broadcast_in_dim3A_109 = arith.constant 0.000000e+00 : f32
      %broadcast_in_dim3A_110 = vector.broadcast %broadcast_in_dim3A_109 : f32 to vector<16xf32>
      %swap3A_111 = arith.index_cast %scan3A_81 : i32 to index
      %swap3A_112 = arith.constant 64 : index
      %swap3A_113 = tpu.vector_load %arg13[%swap3A_111, %swap3A_112] {strides = array<i32>} : memref<80x144xf32, #tpu.memory_space<vmem>>, vector<1x16xf32>,
      %swap3A_114 = vector.shape_cast %swap3A_113 : vector<1x16xf32> to vector<16xf32>
      %swap3A_115 = vector.shape_cast %broadcast_in_dim3A_110 : vector<16xf32> to vector<1x16xf32>
      tpu.vector_store %arg13[%swap3A_111, %swap3A_112], %swap3A_115 {strides = array<i32>} : memref<80x144xf32, #tpu.memory_space<vmem>>, vector<1x16xf32>,
      %broadcast_in_dim3A_116 = arith.constant 0.000000e+00 : f32
      %broadcast_in_dim3A_117 = vector.broadcast %broadcast_in_dim3A_116 : f32 to vector<16xf32>
      %swap3A_118 = arith.index_cast %scan3A_81 : i32 to index
      %swap3A_119 = arith.constant 80 : index
      %swap3A_120 = tpu.vector_load %arg13[%swap3A_118, %swap3A_119] {strides = array<i32>} : memref<80x144xf32, #tpu.memory_space<vmem>>, vector<1x16xf32>,
      %swap3A_121 = vector.shape_cast %swap3A_120 : vector<1x16xf32> to vector<16xf32>
      %swap3A_122 = vector.shape_cast %broadcast_in_dim3A_117 : vector<16xf32> to vector<1x16xf32>
      tpu.vector_store %arg13[%swap3A_118, %swap3A_119], %swap3A_122 {strides = array<i32>} : memref<80x144xf32, #tpu.memory_space<vmem>>, vector<1x16xf32>,
      %broadcast_in_dim3A_123 = arith.constant 0.000000e+00 : f32
      %broadcast_in_dim3A_124 = vector.broadcast %broadcast_in_dim3A_123 : f32 to vector<16xf32>
      %swap3A_125 = arith.index_cast %scan3A_81 : i32 to index
      %swap3A_126 = arith.constant 96 : index
      %swap3A_127 = tpu.vector_load %arg13[%swap3A_125, %swap3A_126] {strides = array<i32>} : memref<80x144xf32, #tpu.memory_space<vmem>>, vector<1x16xf32>,
      %swap3A_128 = vector.shape_cast %swap3A_127 : vector<1x16xf32> to vector<16xf32>
      %swap3A_129 = vector.shape_cast %broadcast_in_dim3A_124 : vector<16xf32> to vector<1x16xf32>
      tpu.vector_store %arg13[%swap3A_125, %swap3A_126], %swap3A_129 {strides = array<i32>} : memref<80x144xf32, #tpu.memory_space<vmem>>, vector<1x16xf32>,
      %broadcast_in_dim3A_130 = arith.constant 0.000000e+00 : f32
      %broadcast_in_dim3A_131 = vector.broadcast %broadcast_in_dim3A_130 : f32 to vector<16xf32>
      %swap3A_132 = arith.index_cast %scan3A_81 : i32 to index
      %swap3A_133 = arith.constant 112 : index
      %swap3A_134 = tpu.vector_load %arg13[%swap3A_132, %swap3A_133] {strides = array<i32>} : memref<80x144xf32, #tpu.memory_space<vmem>>, vector<1x16xf32>,
      %swap3A_135 = vector.shape_cast %swap3A_134 : vector<1x16xf32> to vector<16xf32>
      %swap3A_136 = vector.shape_cast %broadcast_in_dim3A_131 : vector<16xf32> to vector<1x16xf32>
      tpu.vector_store %arg13[%swap3A_132, %swap3A_133], %swap3A_136 {strides = array<i32>} : memref<80x144xf32, #tpu.memory_space<vmem>>, vector<1x16xf32>,
      %broadcast_in_dim3A_137 = arith.constant 0.000000e+00 : f32
      %broadcast_in_dim3A_138 = vector.broadcast %broadcast_in_dim3A_137 : f32 to vector<16xf32>
      %swap3A_139 = arith.index_cast %scan3A_81 : i32 to index
      %swap3A_140 = arith.constant 128 : index
      %swap3A_141 = tpu.vector_load %arg13[%swap3A_139, %swap3A_140] {strides = array<i32>} : memref<80x144xf32, #tpu.memory_space<vmem>>, vector<1x16xf32>,
      %swap3A_142 = vector.shape_cast %swap3A_141 : vector<1x16xf32> to vector<16xf32>
      %swap3A_143 = vector.shape_cast %broadcast_in_dim3A_138 : vector<16xf32> to vector<1x16xf32>
      tpu.vector_store %arg13[%swap3A_139, %swap3A_140], %swap3A_143 {strides = array<i32>} : memref<80x144xf32, #tpu.memory_space<vmem>>, vector<1x16xf32>,
      %scan3A_144 = arith.constant 0 : i32
      scf.yield %scan3A_144 : i32
    }
    %scan3A_6 = arith.constant 80 : i32
    %mul3A_7 = arith.constant 640 : i32
    %mul3A_8 = arith.muli %arg1, %mul3A_7 : i32
    %add3A = arith.constant 0 : i32
    %add3A_9 = arith.addi %mul3A_8, %add3A : i32
    "tpu.region"() ({
      %run_scoped3A = tpu.sem_alloc : memref<!tpu.dma_semaphore, #tpu.memory_space<semaphore_mem>>
      %dma_start3A = arith.constant 0 : i32
      %dma_start3A_81 = tpu.memref_slice %arg14[%add3A_9, %dma_start3A] : memref<10240x144xf32, #tpu.memory_space<vmem_shared>> -> memref<80x144xf32, #tpu.memory_space<vmem_shared>>
      %dma_start3A_82 = arith.constant 0 : i32
      %dma_start3A_83 = tpu.memref_slice %arg14[%add3A_9, %dma_start3A_82] : memref<10240x144xf32, #tpu.memory_space<vmem_shared>> -> memref<80x144xf32, #tpu.memory_space<vmem_shared>>
      tpu.enqueue_dma source(%arg13 : memref<80x144xf32, #tpu.memory_space<vmem>>) target(%dma_start3A_83 : memref<80x144xf32, #tpu.memory_space<vmem_shared>>) target_semaphore(%run_scoped3A : memref<!tpu.dma_semaphore, #tpu.memory_space<semaphore_mem>>)
      %dma_wait3A = arith.constant 0 : i32
      %dma_wait3A_84 = tpu.memref_slice %arg14[%add3A_9, %dma_wait3A] : memref<10240x144xf32, #tpu.memory_space<vmem_shared>> -> memref<80x144xf32, #tpu.memory_space<vmem_shared>>
      %dma_wait3A_85 = arith.constant 0 : i32
      %dma_wait3A_86 = tpu.memref_slice %arg14[%add3A_9, %dma_wait3A_85] : memref<10240x144xf32, #tpu.memory_space<vmem_shared>> -> memref<80x144xf32, #tpu.memory_space<vmem_shared>>
      tpu.wait_dma2 semaphore(%run_scoped3A : memref<!tpu.dma_semaphore, #tpu.memory_space<semaphore_mem>>) src(%arg13 : memref<80x144xf32, #tpu.memory_space<vmem>>) dst(%dma_wait3A_86 : memref<80x144xf32, #tpu.memory_space<vmem_shared>>)
      tpu.yield
    }) : () -> ()
    %mul3A_10 = arith.constant 640 : i32
    %mul3A_11 = arith.muli %arg1, %mul3A_10 : i32
    %add3A_12 = arith.constant 80 : i32
    %add3A_13 = arith.addi %mul3A_11, %add3A_12 : i32
    "tpu.region"() ({
      %run_scoped3A = tpu.sem_alloc : memref<!tpu.dma_semaphore, #tpu.memory_space<semaphore_mem>>
      %dma_start3A = arith.constant 0 : i32
      %dma_start3A_81 = tpu.memref_slice %arg14[%add3A_13, %dma_start3A] : memref<10240x144xf32, #tpu.memory_space<vmem_shared>> -> memref<80x144xf32, #tpu.memory_space<vmem_shared>>
      %dma_start3A_82 = arith.constant 0 : i32
      %dma_start3A_83 = tpu.memref_slice %arg14[%add3A_13, %dma_start3A_82] : memref<10240x144xf32, #tpu.memory_space<vmem_shared>> -> memref<80x144xf32, #tpu.memory_space<vmem_shared>>
      tpu.enqueue_dma source(%arg13 : memref<80x144xf32, #tpu.memory_space<vmem>>) target(%dma_start3A_83 : memref<80x144xf32, #tpu.memory_space<vmem_shared>>) target_semaphore(%run_scoped3A : memref<!tpu.dma_semaphore, #tpu.memory_space<semaphore_mem>>)
      %dma_wait3A = arith.constant 0 : i32
      %dma_wait3A_84 = tpu.memref_slice %arg14[%add3A_13, %dma_wait3A] : memref<10240x144xf32, #tpu.memory_space<vmem_shared>> -> memref<80x144xf32, #tpu.memory_space<vmem_shared>>
      %dma_wait3A_85 = arith.constant 0 : i32
      %dma_wait3A_86 = tpu.memref_slice %arg14[%add3A_13, %dma_wait3A_85] : memref<10240x144xf32, #tpu.memory_space<vmem_shared>> -> memref<80x144xf32, #tpu.memory_space<vmem_shared>>
      tpu.wait_dma2 semaphore(%run_scoped3A : memref<!tpu.dma_semaphore, #tpu.memory_space<semaphore_mem>>) src(%arg13 : memref<80x144xf32, #tpu.memory_space<vmem>>) dst(%dma_wait3A_86 : memref<80x144xf32, #tpu.memory_space<vmem_shared>>)
      tpu.yield
    }) : () -> ()
    %mul3A_14 = arith.constant 640 : i32
    %mul3A_15 = arith.muli %arg1, %mul3A_14 : i32
    %add3A_16 = arith.constant 160 : i32
    %add3A_17 = arith.addi %mul3A_15, %add3A_16 : i32
    "tpu.region"() ({
      %run_scoped3A = tpu.sem_alloc : memref<!tpu.dma_semaphore, #tpu.memory_space<semaphore_mem>>
      %dma_start3A = arith.constant 0 : i32
      %dma_start3A_81 = tpu.memref_slice %arg14[%add3A_17, %dma_start3A] : memref<10240x144xf32, #tpu.memory_space<vmem_shared>> -> memref<80x144xf32, #tpu.memory_space<vmem_shared>>
      %dma_start3A_82 = arith.constant 0 : i32
      %dma_start3A_83 = tpu.memref_slice %arg14[%add3A_17, %dma_start3A_82] : memref<10240x144xf32, #tpu.memory_space<vmem_shared>> -> memref<80x144xf32, #tpu.memory_space<vmem_shared>>
      tpu.enqueue_dma source(%arg13 : memref<80x144xf32, #tpu.memory_space<vmem>>) target(%dma_start3A_83 : memref<80x144xf32, #tpu.memory_space<vmem_shared>>) target_semaphore(%run_scoped3A : memref<!tpu.dma_semaphore, #tpu.memory_space<semaphore_mem>>)
      %dma_wait3A = arith.constant 0 : i32
      %dma_wait3A_84 = tpu.memref_slice %arg14[%add3A_17, %dma_wait3A] : memref<10240x144xf32, #tpu.memory_space<vmem_shared>> -> memref<80x144xf32, #tpu.memory_space<vmem_shared>>
      %dma_wait3A_85 = arith.constant 0 : i32
      %dma_wait3A_86 = tpu.memref_slice %arg14[%add3A_17, %dma_wait3A_85] : memref<10240x144xf32, #tpu.memory_space<vmem_shared>> -> memref<80x144xf32, #tpu.memory_space<vmem_shared>>
      tpu.wait_dma2 semaphore(%run_scoped3A : memref<!tpu.dma_semaphore, #tpu.memory_space<semaphore_mem>>) src(%arg13 : memref<80x144xf32, #tpu.memory_space<vmem>>) dst(%dma_wait3A_86 : memref<80x144xf32, #tpu.memory_space<vmem_shared>>)
      tpu.yield
    }) : () -> ()
    %mul3A_18 = arith.constant 640 : i32
    %mul3A_19 = arith.muli %arg1, %mul3A_18 : i32
    %add3A_20 = arith.constant 240 : i32
    %add3A_21 = arith.addi %mul3A_19, %add3A_20 : i32
    "tpu.region"() ({
      %run_scoped3A = tpu.sem_alloc : memref<!tpu.dma_semaphore, #tpu.memory_space<semaphore_mem>>
      %dma_start3A = arith.constant 0 : i32
      %dma_start3A_81 = tpu.memref_slice %arg14[%add3A_21, %dma_start3A] : memref<10240x144xf32, #tpu.memory_space<vmem_shared>> -> memref<80x144xf32, #tpu.memory_space<vmem_shared>>
      %dma_start3A_82 = arith.constant 0 : i32
      %dma_start3A_83 = tpu.memref_slice %arg14[%add3A_21, %dma_start3A_82] : memref<10240x144xf32, #tpu.memory_space<vmem_shared>> -> memref<80x144xf32, #tpu.memory_space<vmem_shared>>
      tpu.enqueue_dma source(%arg13 : memref<80x144xf32, #tpu.memory_space<vmem>>) target(%dma_start3A_83 : memref<80x144xf32, #tpu.memory_space<vmem_shared>>) target_semaphore(%run_scoped3A : memref<!tpu.dma_semaphore, #tpu.memory_space<semaphore_mem>>)
      %dma_wait3A = arith.constant 0 : i32
      %dma_wait3A_84 = tpu.memref_slice %arg14[%add3A_21, %dma_wait3A] : memref<10240x144xf32, #tpu.memory_space<vmem_shared>> -> memref<80x144xf32, #tpu.memory_space<vmem_shared>>
      %dma_wait3A_85 = arith.constant 0 : i32
      %dma_wait3A_86 = tpu.memref_slice %arg14[%add3A_21, %dma_wait3A_85] : memref<10240x144xf32, #tpu.memory_space<vmem_shared>> -> memref<80x144xf32, #tpu.memory_space<vmem_shared>>
      tpu.wait_dma2 semaphore(%run_scoped3A : memref<!tpu.dma_semaphore, #tpu.memory_space<semaphore_mem>>) src(%arg13 : memref<80x144xf32, #tpu.memory_space<vmem>>) dst(%dma_wait3A_86 : memref<80x144xf32, #tpu.memory_space<vmem_shared>>)
      tpu.yield
    }) : () -> ()
    %mul3A_22 = arith.constant 640 : i32
    %mul3A_23 = arith.muli %arg1, %mul3A_22 : i32
    %add3A_24 = arith.constant 320 : i32
    %add3A_25 = arith.addi %mul3A_23, %add3A_24 : i32
    "tpu.region"() ({
      %run_scoped3A = tpu.sem_alloc : memref<!tpu.dma_semaphore, #tpu.memory_space<semaphore_mem>>
      %dma_start3A = arith.constant 0 : i32
      %dma_start3A_81 = tpu.memref_slice %arg14[%add3A_25, %dma_start3A] : memref<10240x144xf32, #tpu.memory_space<vmem_shared>> -> memref<80x144xf32, #tpu.memory_space<vmem_shared>>
      %dma_start3A_82 = arith.constant 0 : i32
      %dma_start3A_83 = tpu.memref_slice %arg14[%add3A_25, %dma_start3A_82] : memref<10240x144xf32, #tpu.memory_space<vmem_shared>> -> memref<80x144xf32, #tpu.memory_space<vmem_shared>>
      tpu.enqueue_dma source(%arg13 : memref<80x144xf32, #tpu.memory_space<vmem>>) target(%dma_start3A_83 : memref<80x144xf32, #tpu.memory_space<vmem_shared>>) target_semaphore(%run_scoped3A : memref<!tpu.dma_semaphore, #tpu.memory_space<semaphore_mem>>)
      %dma_wait3A = arith.constant 0 : i32
      %dma_wait3A_84 = tpu.memref_slice %arg14[%add3A_25, %dma_wait3A] : memref<10240x144xf32, #tpu.memory_space<vmem_shared>> -> memref<80x144xf32, #tpu.memory_space<vmem_shared>>
      %dma_wait3A_85 = arith.constant 0 : i32
      %dma_wait3A_86 = tpu.memref_slice %arg14[%add3A_25, %dma_wait3A_85] : memref<10240x144xf32, #tpu.memory_space<vmem_shared>> -> memref<80x144xf32, #tpu.memory_space<vmem_shared>>
      tpu.wait_dma2 semaphore(%run_scoped3A : memref<!tpu.dma_semaphore, #tpu.memory_space<semaphore_mem>>) src(%arg13 : memref<80x144xf32, #tpu.memory_space<vmem>>) dst(%dma_wait3A_86 : memref<80x144xf32, #tpu.memory_space<vmem_shared>>)
      tpu.yield
    }) : () -> ()
    %mul3A_26 = arith.constant 640 : i32
    %mul3A_27 = arith.muli %arg1, %mul3A_26 : i32
    %add3A_28 = arith.constant 400 : i32
    %add3A_29 = arith.addi %mul3A_27, %add3A_28 : i32
    "tpu.region"() ({
      %run_scoped3A = tpu.sem_alloc : memref<!tpu.dma_semaphore, #tpu.memory_space<semaphore_mem>>
      %dma_start3A = arith.constant 0 : i32
      %dma_start3A_81 = tpu.memref_slice %arg14[%add3A_29, %dma_start3A] : memref<10240x144xf32, #tpu.memory_space<vmem_shared>> -> memref<80x144xf32, #tpu.memory_space<vmem_shared>>
      %dma_start3A_82 = arith.constant 0 : i32
      %dma_start3A_83 = tpu.memref_slice %arg14[%add3A_29, %dma_start3A_82] : memref<10240x144xf32, #tpu.memory_space<vmem_shared>> -> memref<80x144xf32, #tpu.memory_space<vmem_shared>>
      tpu.enqueue_dma source(%arg13 : memref<80x144xf32, #tpu.memory_space<vmem>>) target(%dma_start3A_83 : memref<80x144xf32, #tpu.memory_space<vmem_shared>>) target_semaphore(%run_scoped3A : memref<!tpu.dma_semaphore, #tpu.memory_space<semaphore_mem>>)
      %dma_wait3A = arith.constant 0 : i32
      %dma_wait3A_84 = tpu.memref_slice %arg14[%add3A_29, %dma_wait3A] : memref<10240x144xf32, #tpu.memory_space<vmem_shared>> -> memref<80x144xf32, #tpu.memory_space<vmem_shared>>
      %dma_wait3A_85 = arith.constant 0 : i32
      %dma_wait3A_86 = tpu.memref_slice %arg14[%add3A_29, %dma_wait3A_85] : memref<10240x144xf32, #tpu.memory_space<vmem_shared>> -> memref<80x144xf32, #tpu.memory_space<vmem_shared>>
      tpu.wait_dma2 semaphore(%run_scoped3A : memref<!tpu.dma_semaphore, #tpu.memory_space<semaphore_mem>>) src(%arg13 : memref<80x144xf32, #tpu.memory_space<vmem>>) dst(%dma_wait3A_86 : memref<80x144xf32, #tpu.memory_space<vmem_shared>>)
      tpu.yield
    }) : () -> ()
    %mul3A_30 = arith.constant 640 : i32
    %mul3A_31 = arith.muli %arg1, %mul3A_30 : i32
    %add3A_32 = arith.constant 480 : i32
    %add3A_33 = arith.addi %mul3A_31, %add3A_32 : i32
    "tpu.region"() ({
      %run_scoped3A = tpu.sem_alloc : memref<!tpu.dma_semaphore, #tpu.memory_space<semaphore_mem>>
      %dma_start3A = arith.constant 0 : i32
      %dma_start3A_81 = tpu.memref_slice %arg14[%add3A_33, %dma_start3A] : memref<10240x144xf32, #tpu.memory_space<vmem_shared>> -> memref<80x144xf32, #tpu.memory_space<vmem_shared>>
      %dma_start3A_82 = arith.constant 0 : i32
      %dma_start3A_83 = tpu.memref_slice %arg14[%add3A_33, %dma_start3A_82] : memref<10240x144xf32, #tpu.memory_space<vmem_shared>> -> memref<80x144xf32, #tpu.memory_space<vmem_shared>>
      tpu.enqueue_dma source(%arg13 : memref<80x144xf32, #tpu.memory_space<vmem>>) target(%dma_start3A_83 : memref<80x144xf32, #tpu.memory_space<vmem_shared>>) target_semaphore(%run_scoped3A : memref<!tpu.dma_semaphore, #tpu.memory_space<semaphore_mem>>)
      %dma_wait3A = arith.constant 0 : i32
      %dma_wait3A_84 = tpu.memref_slice %arg14[%add3A_33, %dma_wait3A] : memref<10240x144xf32, #tpu.memory_space<vmem_shared>> -> memref<80x144xf32, #tpu.memory_space<vmem_shared>>
      %dma_wait3A_85 = arith.constant 0 : i32
      %dma_wait3A_86 = tpu.memref_slice %arg14[%add3A_33, %dma_wait3A_85] : memref<10240x144xf32, #tpu.memory_space<vmem_shared>> -> memref<80x144xf32, #tpu.memory_space<vmem_shared>>
      tpu.wait_dma2 semaphore(%run_scoped3A : memref<!tpu.dma_semaphore, #tpu.memory_space<semaphore_mem>>) src(%arg13 : memref<80x144xf32, #tpu.memory_space<vmem>>) dst(%dma_wait3A_86 : memref<80x144xf32, #tpu.memory_space<vmem_shared>>)
      tpu.yield
    }) : () -> ()
    %mul3A_34 = arith.constant 640 : i32
    %mul3A_35 = arith.muli %arg1, %mul3A_34 : i32
    %add3A_36 = arith.constant 560 : i32
    %add3A_37 = arith.addi %mul3A_35, %add3A_36 : i32
    "tpu.region"() ({
      %run_scoped3A = tpu.sem_alloc : memref<!tpu.dma_semaphore, #tpu.memory_space<semaphore_mem>>
      %dma_start3A = arith.constant 0 : i32
      %dma_start3A_81 = tpu.memref_slice %arg14[%add3A_37, %dma_start3A] : memref<10240x144xf32, #tpu.memory_space<vmem_shared>> -> memref<80x144xf32, #tpu.memory_space<vmem_shared>>
      %dma_start3A_82 = arith.constant 0 : i32
      %dma_start3A_83 = tpu.memref_slice %arg14[%add3A_37, %dma_start3A_82] : memref<10240x144xf32, #tpu.memory_space<vmem_shared>> -> memref<80x144xf32, #tpu.memory_space<vmem_shared>>
      tpu.enqueue_dma source(%arg13 : memref<80x144xf32, #tpu.memory_space<vmem>>) target(%dma_start3A_83 : memref<80x144xf32, #tpu.memory_space<vmem_shared>>) target_semaphore(%run_scoped3A : memref<!tpu.dma_semaphore, #tpu.memory_space<semaphore_mem>>)
      %dma_wait3A = arith.constant 0 : i32
      %dma_wait3A_84 = tpu.memref_slice %arg14[%add3A_37, %dma_wait3A] : memref<10240x144xf32, #tpu.memory_space<vmem_shared>> -> memref<80x144xf32, #tpu.memory_space<vmem_shared>>
      %dma_wait3A_85 = arith.constant 0 : i32
      %dma_wait3A_86 = tpu.memref_slice %arg14[%add3A_37, %dma_wait3A_85] : memref<10240x144xf32, #tpu.memory_space<vmem_shared>> -> memref<80x144xf32, #tpu.memory_space<vmem_shared>>
      tpu.wait_dma2 semaphore(%run_scoped3A : memref<!tpu.dma_semaphore, #tpu.memory_space<semaphore_mem>>) src(%arg13 : memref<80x144xf32, #tpu.memory_space<vmem>>) dst(%dma_wait3A_86 : memref<80x144xf32, #tpu.memory_space<vmem_shared>>)
      tpu.yield
    }) : () -> ()
    %barrier3A = arith.constant 0 : index
    tpu.barrier barrier_id(%barrier3A)
    %scan3A_38 = arith.constant 0 : i32
    %scan3A_39 = arith.constant 0 : i32
    %scan3A_40 = arith.constant 250 : i32
    %scan3A_41 = arith.addi %scan3A_39, %scan3A_40 : i32
    %scan3A_42 = arith.constant 1 : i32
    %scan3A_43 = scf.for %scan3A_81 = %scan3A_39 to %scan3A_41 step %scan3A_42 iter_args(%scan3A_82 = %scan3A_38) -> (i32)  : i32 {
      %mul3A_83 = arith.constant 20000 : i32
      %mul3A_84 = arith.muli %arg1, %mul3A_83 : i32
      %mul3A_85 = arith.constant 80 : i32
      %mul3A_86 = arith.muli %scan3A_81, %mul3A_85 : i32
      %add3A_87 = arith.addi %mul3A_84, %mul3A_86 : i32
      "tpu.region"() ({
        %run_scoped3A = tpu.sem_alloc : memref<!tpu.dma_semaphore, #tpu.memory_space<semaphore_mem>>
        %dma_start3A_187 = tpu.memref_slice %arg6[%add3A_87] : memref<320000xi32, #tpu.memory_space<hbm>> -> memref<80xi32, #tpu.memory_space<hbm>>
        %dma_start3A_188 = tpu.memref_slice %arg6[%add3A_87] : memref<320000xi32, #tpu.memory_space<hbm>> -> memref<80xi32, #tpu.memory_space<hbm>>
        tpu.enqueue_dma source(%dma_start3A_188 : memref<80xi32, #tpu.memory_space<hbm>>) target(%arg8 : memref<80xi32, #tpu.memory_space<vmem>>) target_semaphore(%run_scoped3A : memref<!tpu.dma_semaphore, #tpu.memory_space<semaphore_mem>>)
        %dma_wait3A_189 = tpu.memref_slice %arg6[%add3A_87] : memref<320000xi32, #tpu.memory_space<hbm>> -> memref<80xi32, #tpu.memory_space<hbm>>
        %dma_wait3A_190 = tpu.memref_slice %arg6[%add3A_87] : memref<320000xi32, #tpu.memory_space<hbm>> -> memref<80xi32, #tpu.memory_space<hbm>>
        tpu.wait_dma2 semaphore(%run_scoped3A : memref<!tpu.dma_semaphore, #tpu.memory_space<semaphore_mem>>) src(%dma_wait3A_190 : memref<80xi32, #tpu.memory_space<hbm>>) dst(%arg8 : memref<80xi32, #tpu.memory_space<vmem>>)
        tpu.yield
      }) : () -> ()
      "tpu.region"() ({
        %run_scoped3A = tpu.sem_alloc : memref<!tpu.dma_semaphore, #tpu.memory_space<semaphore_mem>>
        %dma_start3A_187 = tpu.memref_slice %arg5[%add3A_87] : memref<320000xi32, #tpu.memory_space<hbm>> -> memref<80xi32, #tpu.memory_space<hbm>>
        %dma_start3A_188 = tpu.memref_slice %arg5[%add3A_87] : memref<320000xi32, #tpu.memory_space<hbm>> -> memref<80xi32, #tpu.memory_space<hbm>>
        tpu.enqueue_dma source(%dma_start3A_188 : memref<80xi32, #tpu.memory_space<hbm>>) target(%arg9 : memref<80xi32, #tpu.memory_space<vmem>>) target_semaphore(%run_scoped3A : memref<!tpu.dma_semaphore, #tpu.memory_space<semaphore_mem>>)
        %dma_wait3A_189 = tpu.memref_slice %arg5[%add3A_87] : memref<320000xi32, #tpu.memory_space<hbm>> -> memref<80xi32, #tpu.memory_space<hbm>>
        %dma_wait3A_190 = tpu.memref_slice %arg5[%add3A_87] : memref<320000xi32, #tpu.memory_space<hbm>> -> memref<80xi32, #tpu.memory_space<hbm>>
        tpu.wait_dma2 semaphore(%run_scoped3A : memref<!tpu.dma_semaphore, #tpu.memory_space<semaphore_mem>>) src(%dma_wait3A_190 : memref<80xi32, #tpu.memory_space<hbm>>) dst(%arg9 : memref<80xi32, #tpu.memory_space<vmem>>)
        tpu.yield
      }) : () -> ()
      %broadcast_in_dim3A = vector.broadcast %mul3A_0 : i32 to vector<16xi32>
      %get3A = arith.constant 0 : index
      %get3A_88 = tpu.vector_load %arg8[%get3A] {strides = array<i32>} : memref<80xi32, #tpu.memory_space<vmem>>, vector<16xi32>,
      %get3A_89 = vector.shape_cast %get3A_88 : vector<16xi32> to vector<16xi32>
      %add3A_90 = arith.addi %get3A_89, %broadcast_in_dim3A : vector<16xi32>
      %swap3A = arith.constant 0 : index
      %swap3A_91 = tpu.vector_load %arg10[%swap3A] {strides = array<i32>} : memref<80xi32, #tpu.memory_space<vmem>>, vector<16xi32>,
      %swap3A_92 = vector.shape_cast %swap3A_91 : vector<16xi32> to vector<16xi32>
      %swap3A_93 = vector.shape_cast %add3A_90 : vector<16xi32> to vector<16xi32>
      tpu.vector_store %arg10[%swap3A], %swap3A_93 {strides = array<i32>} : memref<80xi32, #tpu.memory_space<vmem>>, vector<16xi32>,
      %get3A_94 = arith.constant 0 : index
      %get3A_95 = tpu.vector_load %arg9[%get3A_94] {strides = array<i32>} : memref<80xi32, #tpu.memory_space<vmem>>, vector<16xi32>,
      %get3A_96 = vector.shape_cast %get3A_95 : vector<16xi32> to vector<16xi32>
      %add3A_97 = arith.addi %get3A_96, %broadcast_in_dim3A : vector<16xi32>
      %swap3A_98 = arith.constant 0 : index
      %swap3A_99 = tpu.vector_load %arg9[%swap3A_98] {strides = array<i32>} : memref<80xi32, #tpu.memory_space<vmem>>, vector<16xi32>,
      %swap3A_100 = vector.shape_cast %swap3A_99 : vector<16xi32> to vector<16xi32>
      %swap3A_101 = vector.shape_cast %add3A_97 : vector<16xi32> to vector<16xi32>
      tpu.vector_store %arg9[%swap3A_98], %swap3A_101 {strides = array<i32>} : memref<80xi32, #tpu.memory_space<vmem>>, vector<16xi32>,
      %get3A_102 = arith.constant 16 : index
      %get3A_103 = tpu.vector_load %arg8[%get3A_102] {strides = array<i32>} : memref<80xi32, #tpu.memory_space<vmem>>, vector<16xi32>,
      %get3A_104 = vector.shape_cast %get3A_103 : vector<16xi32> to vector<16xi32>
      %add3A_105 = arith.addi %get3A_104, %broadcast_in_dim3A : vector<16xi32>
      %swap3A_106 = arith.constant 16 : index
      %swap3A_107 = tpu.vector_load %arg10[%swap3A_106] {strides = array<i32>} : memref<80xi32, #tpu.memory_space<vmem>>, vector<16xi32>,
      %swap3A_108 = vector.shape_cast %swap3A_107 : vector<16xi32> to vector<16xi32>
      %swap3A_109 = vector.shape_cast %add3A_105 : vector<16xi32> to vector<16xi32>
      tpu.vector_store %arg10[%swap3A_106], %swap3A_109 {strides = array<i32>} : memref<80xi32, #tpu.memory_space<vmem>>, vector<16xi32>,
      %get3A_110 = arith.constant 16 : index
      %get3A_111 = tpu.vector_load %arg9[%get3A_110] {strides = array<i32>} : memref<80xi32, #tpu.memory_space<vmem>>, vector<16xi32>,
      %get3A_112 = vector.shape_cast %get3A_111 : vector<16xi32> to vector<16xi32>
      %add3A_113 = arith.addi %get3A_112, %broadcast_in_dim3A : vector<16xi32>
      %swap3A_114 = arith.constant 16 : index
      %swap3A_115 = tpu.vector_load %arg9[%swap3A_114] {strides = array<i32>} : memref<80xi32, #tpu.memory_space<vmem>>, vector<16xi32>,
      %swap3A_116 = vector.shape_cast %swap3A_115 : vector<16xi32> to vector<16xi32>
      %swap3A_117 = vector.shape_cast %add3A_113 : vector<16xi32> to vector<16xi32>
      tpu.vector_store %arg9[%swap3A_114], %swap3A_117 {strides = array<i32>} : memref<80xi32, #tpu.memory_space<vmem>>, vector<16xi32>,
      %get3A_118 = arith.constant 32 : index
      %get3A_119 = tpu.vector_load %arg8[%get3A_118] {strides = array<i32>} : memref<80xi32, #tpu.memory_space<vmem>>, vector<16xi32>,
      %get3A_120 = vector.shape_cast %get3A_119 : vector<16xi32> to vector<16xi32>
      %add3A_121 = arith.addi %get3A_120, %broadcast_in_dim3A : vector<16xi32>
      %swap3A_122 = arith.constant 32 : index
      %swap3A_123 = tpu.vector_load %arg10[%swap3A_122] {strides = array<i32>} : memref<80xi32, #tpu.memory_space<vmem>>, vector<16xi32>,
      %swap3A_124 = vector.shape_cast %swap3A_123 : vector<16xi32> to vector<16xi32>
      %swap3A_125 = vector.shape_cast %add3A_121 : vector<16xi32> to vector<16xi32>
      tpu.vector_store %arg10[%swap3A_122], %swap3A_125 {strides = array<i32>} : memref<80xi32, #tpu.memory_space<vmem>>, vector<16xi32>,
      %get3A_126 = arith.constant 32 : index
      %get3A_127 = tpu.vector_load %arg9[%get3A_126] {strides = array<i32>} : memref<80xi32, #tpu.memory_space<vmem>>, vector<16xi32>,
      %get3A_128 = vector.shape_cast %get3A_127 : vector<16xi32> to vector<16xi32>
      %add3A_129 = arith.addi %get3A_128, %broadcast_in_dim3A : vector<16xi32>
      %swap3A_130 = arith.constant 32 : index
      %swap3A_131 = tpu.vector_load %arg9[%swap3A_130] {strides = array<i32>} : memref<80xi32, #tpu.memory_space<vmem>>, vector<16xi32>,
      %swap3A_132 = vector.shape_cast %swap3A_131 : vector<16xi32> to vector<16xi32>
      %swap3A_133 = vector.shape_cast %add3A_129 : vector<16xi32> to vector<16xi32>
      tpu.vector_store %arg9[%swap3A_130], %swap3A_133 {strides = array<i32>} : memref<80xi32, #tpu.memory_space<vmem>>, vector<16xi32>,
      %get3A_134 = arith.constant 48 : index
      %get3A_135 = tpu.vector_load %arg8[%get3A_134] {strides = array<i32>} : memref<80xi32, #tpu.memory_space<vmem>>, vector<16xi32>,
      %get3A_136 = vector.shape_cast %get3A_135 : vector<16xi32> to vector<16xi32>
      %add3A_137 = arith.addi %get3A_136, %broadcast_in_dim3A : vector<16xi32>
      %swap3A_138 = arith.constant 48 : index
      %swap3A_139 = tpu.vector_load %arg10[%swap3A_138] {strides = array<i32>} : memref<80xi32, #tpu.memory_space<vmem>>, vector<16xi32>,
      %swap3A_140 = vector.shape_cast %swap3A_139 : vector<16xi32> to vector<16xi32>
      %swap3A_141 = vector.shape_cast %add3A_137 : vector<16xi32> to vector<16xi32>
      tpu.vector_store %arg10[%swap3A_138], %swap3A_141 {strides = array<i32>} : memref<80xi32, #tpu.memory_space<vmem>>, vector<16xi32>,
      %get3A_142 = arith.constant 48 : index
      %get3A_143 = tpu.vector_load %arg9[%get3A_142] {strides = array<i32>} : memref<80xi32, #tpu.memory_space<vmem>>, vector<16xi32>,
      %get3A_144 = vector.shape_cast %get3A_143 : vector<16xi32> to vector<16xi32>
      %add3A_145 = arith.addi %get3A_144, %broadcast_in_dim3A : vector<16xi32>
      %swap3A_146 = arith.constant 48 : index
      %swap3A_147 = tpu.vector_load %arg9[%swap3A_146] {strides = array<i32>} : memref<80xi32, #tpu.memory_space<vmem>>, vector<16xi32>,
      %swap3A_148 = vector.shape_cast %swap3A_147 : vector<16xi32> to vector<16xi32>
      %swap3A_149 = vector.shape_cast %add3A_145 : vector<16xi32> to vector<16xi32>
      tpu.vector_store %arg9[%swap3A_146], %swap3A_149 {strides = array<i32>} : memref<80xi32, #tpu.memory_space<vmem>>, vector<16xi32>,
      %get3A_150 = arith.constant 64 : index
      %get3A_151 = tpu.vector_load %arg8[%get3A_150] {strides = array<i32>} : memref<80xi32, #tpu.memory_space<vmem>>, vector<16xi32>,
      %get3A_152 = vector.shape_cast %get3A_151 : vector<16xi32> to vector<16xi32>
      %add3A_153 = arith.addi %get3A_152, %broadcast_in_dim3A : vector<16xi32>
      %swap3A_154 = arith.constant 64 : index
      %swap3A_155 = tpu.vector_load %arg10[%swap3A_154] {strides = array<i32>} : memref<80xi32, #tpu.memory_space<vmem>>, vector<16xi32>,
      %swap3A_156 = vector.shape_cast %swap3A_155 : vector<16xi32> to vector<16xi32>
      %swap3A_157 = vector.shape_cast %add3A_153 : vector<16xi32> to vector<16xi32>
      tpu.vector_store %arg10[%swap3A_154], %swap3A_157 {strides = array<i32>} : memref<80xi32, #tpu.memory_space<vmem>>, vector<16xi32>,
      %get3A_158 = arith.constant 64 : index
      %get3A_159 = tpu.vector_load %arg9[%get3A_158] {strides = array<i32>} : memref<80xi32, #tpu.memory_space<vmem>>, vector<16xi32>,
      %get3A_160 = vector.shape_cast %get3A_159 : vector<16xi32> to vector<16xi32>
      %add3A_161 = arith.addi %get3A_160, %broadcast_in_dim3A : vector<16xi32>
      %swap3A_162 = arith.constant 64 : index
      %swap3A_163 = tpu.vector_load %arg9[%swap3A_162] {strides = array<i32>} : memref<80xi32, #tpu.memory_space<vmem>>, vector<16xi32>,
      %swap3A_164 = vector.shape_cast %swap3A_163 : vector<16xi32> to vector<16xi32>
      %swap3A_165 = vector.shape_cast %add3A_161 : vector<16xi32> to vector<16xi32>
      tpu.vector_store %arg9[%swap3A_162], %swap3A_165 {strides = array<i32>} : memref<80xi32, #tpu.memory_space<vmem>>, vector<16xi32>,
      %dma_start3A = arith.constant 0 : i32
      %dma_start3A_166 = arith.constant 0 : i32
      %dma_start3A_167 = tpu.memref_slice %arg2[%dma_start3A, %dma_start3A_166] : memref<20000x144xf32, #tpu.memory_space<hbm>> -> memref<20000x144xf32, #tpu.memory_space<hbm>>
      tpu.enqueue_indirect_dma source(%dma_start3A_167 : memref<20000x144xf32, #tpu.memory_space<hbm>>) target(%arg11 : memref<80x144xf32, #tpu.memory_space<vmem>>) offsets(%arg10 : memref<80xi32, #tpu.memory_space<vmem>>) semaphore(%arg15 : memref<!tpu.dma_semaphore, #tpu.memory_space<semaphore_mem>>)
      %dma_start3A_168 = arith.constant 0 : i32
      %dma_start3A_169 = arith.constant 0 : i32
      %dma_start3A_170 = tpu.memref_slice %arg3[%dma_start3A_168, %dma_start3A_169] : memref<20000x144xf32, #tpu.memory_space<hbm>> -> memref<20000x144xf32, #tpu.memory_space<hbm>>
      tpu.enqueue_indirect_dma source(%dma_start3A_170 : memref<20000x144xf32, #tpu.memory_space<hbm>>) target(%arg12 : memref<80x144xf32, #tpu.memory_space<vmem>>) offsets(%arg9 : memref<80xi32, #tpu.memory_space<vmem>>) semaphore(%arg16 : memref<!tpu.dma_semaphore, #tpu.memory_space<semaphore_mem>>)
      %mul3A_171 = arith.constant 320000 : i32
      %mul3A_172 = arith.muli %arg0, %mul3A_171 : i32
      %add3A_173 = arith.addi %mul3A_172, %add3A_87 : i32
      "tpu.region"() ({
        %run_scoped3A = tpu.sem_alloc : memref<!tpu.dma_semaphore, #tpu.memory_space<semaphore_mem>>
        %dma_start3A_187 = arith.constant 0 : i32
        %dma_start3A_188 = tpu.memref_slice %arg4[%add3A_173, %dma_start3A_187] : memref<640000x144xf32, #tpu.memory_space<hbm>> -> memref<80x144xf32, #tpu.memory_space<hbm>>
        %dma_start3A_189 = arith.constant 0 : i32
        %dma_start3A_190 = tpu.memref_slice %arg4[%add3A_173, %dma_start3A_189] : memref<640000x144xf32, #tpu.memory_space<hbm>> -> memref<80x144xf32, #tpu.memory_space<hbm>>
        tpu.enqueue_dma source(%dma_start3A_190 : memref<80x144xf32, #tpu.memory_space<hbm>>) target(%arg13 : memref<80x144xf32, #tpu.memory_space<vmem>>) target_semaphore(%run_scoped3A : memref<!tpu.dma_semaphore, #tpu.memory_space<semaphore_mem>>)
        %dma_wait3A_191 = arith.constant 0 : i32
        %dma_wait3A_192 = tpu.memref_slice %arg4[%add3A_173, %dma_wait3A_191] : memref<640000x144xf32, #tpu.memory_space<hbm>> -> memref<80x144xf32, #tpu.memory_space<hbm>>
        %dma_wait3A_193 = arith.constant 0 : i32
        %dma_wait3A_194 = tpu.memref_slice %arg4[%add3A_173, %dma_wait3A_193] : memref<640000x144xf32, #tpu.memory_space<hbm>> -> memref<80x144xf32, #tpu.memory_space<hbm>>
        tpu.wait_dma2 semaphore(%run_scoped3A : memref<!tpu.dma_semaphore, #tpu.memory_space<semaphore_mem>>) src(%dma_wait3A_194 : memref<80x144xf32, #tpu.memory_space<hbm>>) dst(%arg13 : memref<80x144xf32, #tpu.memory_space<vmem>>)
        tpu.yield
      }) : () -> ()
      %dma_wait3A = arith.constant 0 : i32
      %dma_wait3A_174 = arith.constant 0 : i32
      %dma_wait3A_175 = tpu.memref_slice %arg2[%dma_wait3A, %dma_wait3A_174] : memref<20000x144xf32, #tpu.memory_space<hbm>> -> memref<20000x144xf32, #tpu.memory_space<hbm>>
      tpu.wait_indirect_dma semaphore(%arg15 : memref<!tpu.dma_semaphore, #tpu.memory_space<semaphore_mem>>) src(%dma_wait3A_175 : memref<20000x144xf32, #tpu.memory_space<hbm>>) dst(%arg11 : memref<80x144xf32, #tpu.memory_space<vmem>>)
      %dma_wait3A_176 = arith.constant 0 : i32
      %dma_wait3A_177 = arith.constant 0 : i32
      %dma_wait3A_178 = tpu.memref_slice %arg3[%dma_wait3A_176, %dma_wait3A_177] : memref<20000x144xf32, #tpu.memory_space<hbm>> -> memref<20000x144xf32, #tpu.memory_space<hbm>>
      tpu.wait_indirect_dma semaphore(%arg16 : memref<!tpu.dma_semaphore, #tpu.memory_space<semaphore_mem>>) src(%dma_wait3A_178 : memref<20000x144xf32, #tpu.memory_space<hbm>>) dst(%arg12 : memref<80x144xf32, #tpu.memory_space<vmem>>)
      %scan3A_179 = arith.constant 0 : i32
      %scan3A_180 = arith.constant 0 : i32
      %scan3A_181 = arith.constant 80 : i32
      %scan3A_182 = arith.addi %scan3A_180, %scan3A_181 : i32
      %scan3A_183 = arith.constant 1 : i32
      %scan3A_184 = scf.for %scan3A_187 = %scan3A_180 to %scan3A_182 step %scan3A_183 iter_args(%scan3A_188 = %scan3A_179) -> (i32)  : i32 {
        %get3A_189 = arith.index_cast %scan3A_187 : i32 to index
        %get3A_190 = arith.constant 0 : index
        %get3A_191 = tpu.vector_load %arg11[%get3A_189, %get3A_190] {strides = array<i32>} : memref<80x144xf32, #tpu.memory_space<vmem>>, vector<1x16xf32>,
        %get3A_192 = vector.shape_cast %get3A_191 : vector<1x16xf32> to vector<16xf32>
        %get3A_193 = arith.index_cast %scan3A_187 : i32 to index
        %get3A_194 = arith.constant 0 : index
        %get3A_195 = tpu.vector_load %arg12[%get3A_193, %get3A_194] {strides = array<i32>} : memref<80x144xf32, #tpu.memory_space<vmem>>, vector<1x16xf32>,
        %get3A_196 = vector.shape_cast %get3A_195 : vector<1x16xf32> to vector<16xf32>
        %add3A_197 = arith.addf %get3A_192, %get3A_196 : vector<16xf32>
        %get3A_198 = arith.index_cast %scan3A_187 : i32 to index
        %get3A_199 = arith.constant 0 : index
        %get3A_200 = tpu.vector_load %arg13[%get3A_198, %get3A_199] {strides = array<i32>} : memref<80x144xf32, #tpu.memory_space<vmem>>, vector<1x16xf32>,
        %get3A_201 = vector.shape_cast %get3A_200 : vector<1x16xf32> to vector<16xf32>
        %add3A_202 = arith.addf %add3A_197, %get3A_201 : vector<16xf32>
        %max3A = arith.constant 0.000000e+00 : f32
        %max3A_203 = vector.broadcast %max3A : f32 to vector<16xf32>
        %max3A_204 = arith.maximumf %add3A_202, %max3A_203 : vector<16xf32>
        %swap3A_205 = arith.index_cast %scan3A_187 : i32 to index
        %swap3A_206 = arith.constant 0 : index
        %swap3A_207 = tpu.vector_load %arg11[%swap3A_205, %swap3A_206] {strides = array<i32>} : memref<80x144xf32, #tpu.memory_space<vmem>>, vector<1x16xf32>,
        %swap3A_208 = vector.shape_cast %swap3A_207 : vector<1x16xf32> to vector<16xf32>
        %swap3A_209 = vector.shape_cast %max3A_204 : vector<16xf32> to vector<1x16xf32>
        tpu.vector_store %arg11[%swap3A_205, %swap3A_206], %swap3A_209 {strides = array<i32>} : memref<80x144xf32, #tpu.memory_space<vmem>>, vector<1x16xf32>,
        %get3A_210 = arith.index_cast %scan3A_187 : i32 to index
        %get3A_211 = arith.constant 16 : index
        %get3A_212 = tpu.vector_load %arg11[%get3A_210, %get3A_211] {strides = array<i32>} : memref<80x144xf32, #tpu.memory_space<vmem>>, vector<1x16xf32>,
        %get3A_213 = vector.shape_cast %get3A_212 : vector<1x16xf32> to vector<16xf32>
        %get3A_214 = arith.index_cast %scan3A_187 : i32 to index
        %get3A_215 = arith.constant 16 : index
        %get3A_216 = tpu.vector_load %arg12[%get3A_214, %get3A_215] {strides = array<i32>} : memref<80x144xf32, #tpu.memory_space<vmem>>, vector<1x16xf32>,
        %get3A_217 = vector.shape_cast %get3A_216 : vector<1x16xf32> to vector<16xf32>
        %add3A_218 = arith.addf %get3A_213, %get3A_217 : vector<16xf32>
        %get3A_219 = arith.index_cast %scan3A_187 : i32 to index
        %get3A_220 = arith.constant 16 : index
        %get3A_221 = tpu.vector_load %arg13[%get3A_219, %get3A_220] {strides = array<i32>} : memref<80x144xf32, #tpu.memory_space<vmem>>, vector<1x16xf32>,
        %get3A_222 = vector.shape_cast %get3A_221 : vector<1x16xf32> to vector<16xf32>
        %add3A_223 = arith.addf %add3A_218, %get3A_222 : vector<16xf32>
        %max3A_224 = arith.constant 0.000000e+00 : f32
        %max3A_225 = vector.broadcast %max3A_224 : f32 to vector<16xf32>
        %max3A_226 = arith.maximumf %add3A_223, %max3A_225 : vector<16xf32>
        %swap3A_227 = arith.index_cast %scan3A_187 : i32 to index
        %swap3A_228 = arith.constant 16 : index
        %swap3A_229 = tpu.vector_load %arg11[%swap3A_227, %swap3A_228] {strides = array<i32>} : memref<80x144xf32, #tpu.memory_space<vmem>>, vector<1x16xf32>,
        %swap3A_230 = vector.shape_cast %swap3A_229 : vector<1x16xf32> to vector<16xf32>
        %swap3A_231 = vector.shape_cast %max3A_226 : vector<16xf32> to vector<1x16xf32>
        tpu.vector_store %arg11[%swap3A_227, %swap3A_228], %swap3A_231 {strides = array<i32>} : memref<80x144xf32, #tpu.memory_space<vmem>>, vector<1x16xf32>,
        %get3A_232 = arith.index_cast %scan3A_187 : i32 to index
        %get3A_233 = arith.constant 32 : index
        %get3A_234 = tpu.vector_load %arg11[%get3A_232, %get3A_233] {strides = array<i32>} : memref<80x144xf32, #tpu.memory_space<vmem>>, vector<1x16xf32>,
        %get3A_235 = vector.shape_cast %get3A_234 : vector<1x16xf32> to vector<16xf32>
        %get3A_236 = arith.index_cast %scan3A_187 : i32 to index
        %get3A_237 = arith.constant 32 : index
        %get3A_238 = tpu.vector_load %arg12[%get3A_236, %get3A_237] {strides = array<i32>} : memref<80x144xf32, #tpu.memory_space<vmem>>, vector<1x16xf32>,
        %get3A_239 = vector.shape_cast %get3A_238 : vector<1x16xf32> to vector<16xf32>
        %add3A_240 = arith.addf %get3A_235, %get3A_239 : vector<16xf32>
        %get3A_241 = arith.index_cast %scan3A_187 : i32 to index
        %get3A_242 = arith.constant 32 : index
        %get3A_243 = tpu.vector_load %arg13[%get3A_241, %get3A_242] {strides = array<i32>} : memref<80x144xf32, #tpu.memory_space<vmem>>, vector<1x16xf32>,
        %get3A_244 = vector.shape_cast %get3A_243 : vector<1x16xf32> to vector<16xf32>
        %add3A_245 = arith.addf %add3A_240, %get3A_244 : vector<16xf32>
        %max3A_246 = arith.constant 0.000000e+00 : f32
        %max3A_247 = vector.broadcast %max3A_246 : f32 to vector<16xf32>
        %max3A_248 = arith.maximumf %add3A_245, %max3A_247 : vector<16xf32>
        %swap3A_249 = arith.index_cast %scan3A_187 : i32 to index
        %swap3A_250 = arith.constant 32 : index
        %swap3A_251 = tpu.vector_load %arg11[%swap3A_249, %swap3A_250] {strides = array<i32>} : memref<80x144xf32, #tpu.memory_space<vmem>>, vector<1x16xf32>,
        %swap3A_252 = vector.shape_cast %swap3A_251 : vector<1x16xf32> to vector<16xf32>
        %swap3A_253 = vector.shape_cast %max3A_248 : vector<16xf32> to vector<1x16xf32>
        tpu.vector_store %arg11[%swap3A_249, %swap3A_250], %swap3A_253 {strides = array<i32>} : memref<80x144xf32, #tpu.memory_space<vmem>>, vector<1x16xf32>,
        %get3A_254 = arith.index_cast %scan3A_187 : i32 to index
        %get3A_255 = arith.constant 48 : index
        %get3A_256 = tpu.vector_load %arg11[%get3A_254, %get3A_255] {strides = array<i32>} : memref<80x144xf32, #tpu.memory_space<vmem>>, vector<1x16xf32>,
        %get3A_257 = vector.shape_cast %get3A_256 : vector<1x16xf32> to vector<16xf32>
        %get3A_258 = arith.index_cast %scan3A_187 : i32 to index
        %get3A_259 = arith.constant 48 : index
        %get3A_260 = tpu.vector_load %arg12[%get3A_258, %get3A_259] {strides = array<i32>} : memref<80x144xf32, #tpu.memory_space<vmem>>, vector<1x16xf32>,
        %get3A_261 = vector.shape_cast %get3A_260 : vector<1x16xf32> to vector<16xf32>
        %add3A_262 = arith.addf %get3A_257, %get3A_261 : vector<16xf32>
        %get3A_263 = arith.index_cast %scan3A_187 : i32 to index
        %get3A_264 = arith.constant 48 : index
        %get3A_265 = tpu.vector_load %arg13[%get3A_263, %get3A_264] {strides = array<i32>} : memref<80x144xf32, #tpu.memory_space<vmem>>, vector<1x16xf32>,
        %get3A_266 = vector.shape_cast %get3A_265 : vector<1x16xf32> to vector<16xf32>
        %add3A_267 = arith.addf %add3A_262, %get3A_266 : vector<16xf32>
        %max3A_268 = arith.constant 0.000000e+00 : f32
        %max3A_269 = vector.broadcast %max3A_268 : f32 to vector<16xf32>
        %max3A_270 = arith.maximumf %add3A_267, %max3A_269 : vector<16xf32>
        %swap3A_271 = arith.index_cast %scan3A_187 : i32 to index
        %swap3A_272 = arith.constant 48 : index
        %swap3A_273 = tpu.vector_load %arg11[%swap3A_271, %swap3A_272] {strides = array<i32>} : memref<80x144xf32, #tpu.memory_space<vmem>>, vector<1x16xf32>,
        %swap3A_274 = vector.shape_cast %swap3A_273 : vector<1x16xf32> to vector<16xf32>
        %swap3A_275 = vector.shape_cast %max3A_270 : vector<16xf32> to vector<1x16xf32>
        tpu.vector_store %arg11[%swap3A_271, %swap3A_272], %swap3A_275 {strides = array<i32>} : memref<80x144xf32, #tpu.memory_space<vmem>>, vector<1x16xf32>,
        %get3A_276 = arith.index_cast %scan3A_187 : i32 to index
        %get3A_277 = arith.constant 64 : index
        %get3A_278 = tpu.vector_load %arg11[%get3A_276, %get3A_277] {strides = array<i32>} : memref<80x144xf32, #tpu.memory_space<vmem>>, vector<1x16xf32>,
        %get3A_279 = vector.shape_cast %get3A_278 : vector<1x16xf32> to vector<16xf32>
        %get3A_280 = arith.index_cast %scan3A_187 : i32 to index
        %get3A_281 = arith.constant 64 : index
        %get3A_282 = tpu.vector_load %arg12[%get3A_280, %get3A_281] {strides = array<i32>} : memref<80x144xf32, #tpu.memory_space<vmem>>, vector<1x16xf32>,
        %get3A_283 = vector.shape_cast %get3A_282 : vector<1x16xf32> to vector<16xf32>
        %add3A_284 = arith.addf %get3A_279, %get3A_283 : vector<16xf32>
        %get3A_285 = arith.index_cast %scan3A_187 : i32 to index
        %get3A_286 = arith.constant 64 : index
        %get3A_287 = tpu.vector_load %arg13[%get3A_285, %get3A_286] {strides = array<i32>} : memref<80x144xf32, #tpu.memory_space<vmem>>, vector<1x16xf32>,
        %get3A_288 = vector.shape_cast %get3A_287 : vector<1x16xf32> to vector<16xf32>
        %add3A_289 = arith.addf %add3A_284, %get3A_288 : vector<16xf32>
        %max3A_290 = arith.constant 0.000000e+00 : f32
        %max3A_291 = vector.broadcast %max3A_290 : f32 to vector<16xf32>
        %max3A_292 = arith.maximumf %add3A_289, %max3A_291 : vector<16xf32>
        %swap3A_293 = arith.index_cast %scan3A_187 : i32 to index
        %swap3A_294 = arith.constant 64 : index
        %swap3A_295 = tpu.vector_load %arg11[%swap3A_293, %swap3A_294] {strides = array<i32>} : memref<80x144xf32, #tpu.memory_space<vmem>>, vector<1x16xf32>,
        %swap3A_296 = vector.shape_cast %swap3A_295 : vector<1x16xf32> to vector<16xf32>
        %swap3A_297 = vector.shape_cast %max3A_292 : vector<16xf32> to vector<1x16xf32>
        tpu.vector_store %arg11[%swap3A_293, %swap3A_294], %swap3A_297 {strides = array<i32>} : memref<80x144xf32, #tpu.memory_space<vmem>>, vector<1x16xf32>,
        %get3A_298 = arith.index_cast %scan3A_187 : i32 to index
        %get3A_299 = arith.constant 80 : index
        %get3A_300 = tpu.vector_load %arg11[%get3A_298, %get3A_299] {strides = array<i32>} : memref<80x144xf32, #tpu.memory_space<vmem>>, vector<1x16xf32>,
        %get3A_301 = vector.shape_cast %get3A_300 : vector<1x16xf32> to vector<16xf32>
        %get3A_302 = arith.index_cast %scan3A_187 : i32 to index
        %get3A_303 = arith.constant 80 : index
        %get3A_304 = tpu.vector_load %arg12[%get3A_302, %get3A_303] {strides = array<i32>} : memref<80x144xf32, #tpu.memory_space<vmem>>, vector<1x16xf32>,
        %get3A_305 = vector.shape_cast %get3A_304 : vector<1x16xf32> to vector<16xf32>
        %add3A_306 = arith.addf %get3A_301, %get3A_305 : vector<16xf32>
        %get3A_307 = arith.index_cast %scan3A_187 : i32 to index
        %get3A_308 = arith.constant 80 : index
        %get3A_309 = tpu.vector_load %arg13[%get3A_307, %get3A_308] {strides = array<i32>} : memref<80x144xf32, #tpu.memory_space<vmem>>, vector<1x16xf32>,
        %get3A_310 = vector.shape_cast %get3A_309 : vector<1x16xf32> to vector<16xf32>
        %add3A_311 = arith.addf %add3A_306, %get3A_310 : vector<16xf32>
        %max3A_312 = arith.constant 0.000000e+00 : f32
        %max3A_313 = vector.broadcast %max3A_312 : f32 to vector<16xf32>
        %max3A_314 = arith.maximumf %add3A_311, %max3A_313 : vector<16xf32>
        %swap3A_315 = arith.index_cast %scan3A_187 : i32 to index
        %swap3A_316 = arith.constant 80 : index
        %swap3A_317 = tpu.vector_load %arg11[%swap3A_315, %swap3A_316] {strides = array<i32>} : memref<80x144xf32, #tpu.memory_space<vmem>>, vector<1x16xf32>,
        %swap3A_318 = vector.shape_cast %swap3A_317 : vector<1x16xf32> to vector<16xf32>
        %swap3A_319 = vector.shape_cast %max3A_314 : vector<16xf32> to vector<1x16xf32>
        tpu.vector_store %arg11[%swap3A_315, %swap3A_316], %swap3A_319 {strides = array<i32>} : memref<80x144xf32, #tpu.memory_space<vmem>>, vector<1x16xf32>,
        %get3A_320 = arith.index_cast %scan3A_187 : i32 to index
        %get3A_321 = arith.constant 96 : index
        %get3A_322 = tpu.vector_load %arg11[%get3A_320, %get3A_321] {strides = array<i32>} : memref<80x144xf32, #tpu.memory_space<vmem>>, vector<1x16xf32>,
        %get3A_323 = vector.shape_cast %get3A_322 : vector<1x16xf32> to vector<16xf32>
        %get3A_324 = arith.index_cast %scan3A_187 : i32 to index
        %get3A_325 = arith.constant 96 : index
        %get3A_326 = tpu.vector_load %arg12[%get3A_324, %get3A_325] {strides = array<i32>} : memref<80x144xf32, #tpu.memory_space<vmem>>, vector<1x16xf32>,
        %get3A_327 = vector.shape_cast %get3A_326 : vector<1x16xf32> to vector<16xf32>
        %add3A_328 = arith.addf %get3A_323, %get3A_327 : vector<16xf32>
        %get3A_329 = arith.index_cast %scan3A_187 : i32 to index
        %get3A_330 = arith.constant 96 : index
        %get3A_331 = tpu.vector_load %arg13[%get3A_329, %get3A_330] {strides = array<i32>} : memref<80x144xf32, #tpu.memory_space<vmem>>, vector<1x16xf32>,
        %get3A_332 = vector.shape_cast %get3A_331 : vector<1x16xf32> to vector<16xf32>
        %add3A_333 = arith.addf %add3A_328, %get3A_332 : vector<16xf32>
        %max3A_334 = arith.constant 0.000000e+00 : f32
        %max3A_335 = vector.broadcast %max3A_334 : f32 to vector<16xf32>
        %max3A_336 = arith.maximumf %add3A_333, %max3A_335 : vector<16xf32>
        %swap3A_337 = arith.index_cast %scan3A_187 : i32 to index
        %swap3A_338 = arith.constant 96 : index
        %swap3A_339 = tpu.vector_load %arg11[%swap3A_337, %swap3A_338] {strides = array<i32>} : memref<80x144xf32, #tpu.memory_space<vmem>>, vector<1x16xf32>,
        %swap3A_340 = vector.shape_cast %swap3A_339 : vector<1x16xf32> to vector<16xf32>
        %swap3A_341 = vector.shape_cast %max3A_336 : vector<16xf32> to vector<1x16xf32>
        tpu.vector_store %arg11[%swap3A_337, %swap3A_338], %swap3A_341 {strides = array<i32>} : memref<80x144xf32, #tpu.memory_space<vmem>>, vector<1x16xf32>,
        %get3A_342 = arith.index_cast %scan3A_187 : i32 to index
        %get3A_343 = arith.constant 112 : index
        %get3A_344 = tpu.vector_load %arg11[%get3A_342, %get3A_343] {strides = array<i32>} : memref<80x144xf32, #tpu.memory_space<vmem>>, vector<1x16xf32>,
        %get3A_345 = vector.shape_cast %get3A_344 : vector<1x16xf32> to vector<16xf32>
        %get3A_346 = arith.index_cast %scan3A_187 : i32 to index
        %get3A_347 = arith.constant 112 : index
        %get3A_348 = tpu.vector_load %arg12[%get3A_346, %get3A_347] {strides = array<i32>} : memref<80x144xf32, #tpu.memory_space<vmem>>, vector<1x16xf32>,
        %get3A_349 = vector.shape_cast %get3A_348 : vector<1x16xf32> to vector<16xf32>
        %add3A_350 = arith.addf %get3A_345, %get3A_349 : vector<16xf32>
        %get3A_351 = arith.index_cast %scan3A_187 : i32 to index
        %get3A_352 = arith.constant 112 : index
        %get3A_353 = tpu.vector_load %arg13[%get3A_351, %get3A_352] {strides = array<i32>} : memref<80x144xf32, #tpu.memory_space<vmem>>, vector<1x16xf32>,
        %get3A_354 = vector.shape_cast %get3A_353 : vector<1x16xf32> to vector<16xf32>
        %add3A_355 = arith.addf %add3A_350, %get3A_354 : vector<16xf32>
        %max3A_356 = arith.constant 0.000000e+00 : f32
        %max3A_357 = vector.broadcast %max3A_356 : f32 to vector<16xf32>
        %max3A_358 = arith.maximumf %add3A_355, %max3A_357 : vector<16xf32>
        %swap3A_359 = arith.index_cast %scan3A_187 : i32 to index
        %swap3A_360 = arith.constant 112 : index
        %swap3A_361 = tpu.vector_load %arg11[%swap3A_359, %swap3A_360] {strides = array<i32>} : memref<80x144xf32, #tpu.memory_space<vmem>>, vector<1x16xf32>,
        %swap3A_362 = vector.shape_cast %swap3A_361 : vector<1x16xf32> to vector<16xf32>
        %swap3A_363 = vector.shape_cast %max3A_358 : vector<16xf32> to vector<1x16xf32>
        tpu.vector_store %arg11[%swap3A_359, %swap3A_360], %swap3A_363 {strides = array<i32>} : memref<80x144xf32, #tpu.memory_space<vmem>>, vector<1x16xf32>,
        %get3A_364 = arith.index_cast %scan3A_187 : i32 to index
        %get3A_365 = arith.constant 128 : index
        %get3A_366 = tpu.vector_load %arg11[%get3A_364, %get3A_365] {strides = array<i32>} : memref<80x144xf32, #tpu.memory_space<vmem>>, vector<1x16xf32>,
        %get3A_367 = vector.shape_cast %get3A_366 : vector<1x16xf32> to vector<16xf32>
        %get3A_368 = arith.index_cast %scan3A_187 : i32 to index
        %get3A_369 = arith.constant 128 : index
        %get3A_370 = tpu.vector_load %arg12[%get3A_368, %get3A_369] {strides = array<i32>} : memref<80x144xf32, #tpu.memory_space<vmem>>, vector<1x16xf32>,
        %get3A_371 = vector.shape_cast %get3A_370 : vector<1x16xf32> to vector<16xf32>
        %add3A_372 = arith.addf %get3A_367, %get3A_371 : vector<16xf32>
        %get3A_373 = arith.index_cast %scan3A_187 : i32 to index
        %get3A_374 = arith.constant 128 : index
        %get3A_375 = tpu.vector_load %arg13[%get3A_373, %get3A_374] {strides = array<i32>} : memref<80x144xf32, #tpu.memory_space<vmem>>, vector<1x16xf32>,
        %get3A_376 = vector.shape_cast %get3A_375 : vector<1x16xf32> to vector<16xf32>
        %add3A_377 = arith.addf %add3A_372, %get3A_376 : vector<16xf32>
        %max3A_378 = arith.constant 0.000000e+00 : f32
        %max3A_379 = vector.broadcast %max3A_378 : f32 to vector<16xf32>
        %max3A_380 = arith.maximumf %add3A_377, %max3A_379 : vector<16xf32>
        %swap3A_381 = arith.index_cast %scan3A_187 : i32 to index
        %swap3A_382 = arith.constant 128 : index
        %swap3A_383 = tpu.vector_load %arg11[%swap3A_381, %swap3A_382] {strides = array<i32>} : memref<80x144xf32, #tpu.memory_space<vmem>>, vector<1x16xf32>,
        %swap3A_384 = vector.shape_cast %swap3A_383 : vector<1x16xf32> to vector<16xf32>
        %swap3A_385 = vector.shape_cast %max3A_380 : vector<16xf32> to vector<1x16xf32>
        tpu.vector_store %arg11[%swap3A_381, %swap3A_382], %swap3A_385 {strides = array<i32>} : memref<80x144xf32, #tpu.memory_space<vmem>>, vector<1x16xf32>,
        %scan3A_386 = arith.constant 0 : i32
        scf.yield %scan3A_386 : i32
      }
      %scan3A_185 = arith.constant 80 : i32
      "tpu.region"() ({
        %run_scoped3A = tpu.sem_alloc : memref<!tpu.dma_semaphore, #tpu.memory_space<semaphore_mem>>
        %dma_start3A_187 = arith.constant 0 : i32
        %dma_start3A_188 = arith.constant 0 : i32
        %dma_start3A_189 = tpu.memref_slice %arg14[%dma_start3A_187, %dma_start3A_188] : memref<10240x144xf32, #tpu.memory_space<vmem_shared>> -> memref<10240x144xf32, #tpu.memory_space<vmem_shared>>
        tpu.enqueue_indirect_dma source(%arg11 : memref<80x144xf32, #tpu.memory_space<vmem>>) target(%dma_start3A_189 : memref<10240x144xf32, #tpu.memory_space<vmem_shared>>) offsets(%arg8 : memref<80xi32, #tpu.memory_space<vmem>>) semaphore(%run_scoped3A : memref<!tpu.dma_semaphore, #tpu.memory_space<semaphore_mem>>) {add = true}
        %dma_wait3A_190 = arith.constant 0 : i32
        %dma_wait3A_191 = arith.constant 0 : i32
        %dma_wait3A_192 = tpu.memref_slice %arg14[%dma_wait3A_190, %dma_wait3A_191] : memref<10240x144xf32, #tpu.memory_space<vmem_shared>> -> memref<10240x144xf32, #tpu.memory_space<vmem_shared>>
        tpu.wait_indirect_dma semaphore(%run_scoped3A : memref<!tpu.dma_semaphore, #tpu.memory_space<semaphore_mem>>) src(%arg11 : memref<80x144xf32, #tpu.memory_space<vmem>>) dst(%dma_wait3A_192 : memref<10240x144xf32, #tpu.memory_space<vmem_shared>>)
        tpu.yield
      }) : () -> ()
      %scan3A_186 = arith.constant 0 : i32
      scf.yield %scan3A_186 : i32
    }
    %scan3A_44 = arith.constant 250 : i32
    %barrier3A_45 = arith.constant 0 : index
    tpu.barrier barrier_id(%barrier3A_45)
    %mul3A_46 = arith.constant 640 : i32
    %mul3A_47 = arith.muli %arg1, %mul3A_46 : i32
    %add3A_48 = arith.constant 0 : i32
    %add3A_49 = arith.addi %mul3A_47, %add3A_48 : i32
    %mul3A_50 = arith.constant 10240 : i32
    %mul3A_51 = arith.muli %arg0, %mul3A_50 : i32
    %add3A_52 = arith.addi %mul3A_51, %add3A_49 : i32
    "tpu.region"() ({
      %run_scoped3A = tpu.sem_alloc : memref<!tpu.dma_semaphore, #tpu.memory_space<semaphore_mem>>
      %dma_start3A = arith.constant 0 : i32
      %dma_start3A_81 = tpu.memref_slice %arg7[%add3A_52, %dma_start3A] : memref<20480x144xf32, #tpu.memory_space<hbm>> -> memref<128x144xf32, #tpu.memory_space<hbm>>
      %dma_start3A_82 = arith.constant 0 : i32
      %dma_start3A_83 = tpu.memref_slice %arg14[%add3A_49, %dma_start3A_82] : memref<10240x144xf32, #tpu.memory_space<vmem_shared>> -> memref<128x144xf32, #tpu.memory_space<vmem_shared>>
      tpu.enqueue_dma source(%dma_start3A_83 : memref<128x144xf32, #tpu.memory_space<vmem_shared>>) target(%dma_start3A_81 : memref<128x144xf32, #tpu.memory_space<hbm>>) target_semaphore(%run_scoped3A : memref<!tpu.dma_semaphore, #tpu.memory_space<semaphore_mem>>)
      %dma_wait3A = arith.constant 0 : i32
      %dma_wait3A_84 = tpu.memref_slice %arg7[%add3A_52, %dma_wait3A] : memref<20480x144xf32, #tpu.memory_space<hbm>> -> memref<128x144xf32, #tpu.memory_space<hbm>>
      %dma_wait3A_85 = arith.constant 0 : i32
      %dma_wait3A_86 = tpu.memref_slice %arg14[%add3A_49, %dma_wait3A_85] : memref<10240x144xf32, #tpu.memory_space<vmem_shared>> -> memref<128x144xf32, #tpu.memory_space<vmem_shared>>
      tpu.wait_dma2 semaphore(%run_scoped3A : memref<!tpu.dma_semaphore, #tpu.memory_space<semaphore_mem>>) src(%dma_wait3A_86 : memref<128x144xf32, #tpu.memory_space<vmem_shared>>) dst(%dma_wait3A_84 : memref<128x144xf32, #tpu.memory_space<hbm>>)
      tpu.yield
    }) : () -> ()
    %mul3A_53 = arith.constant 640 : i32
    %mul3A_54 = arith.muli %arg1, %mul3A_53 : i32
    %add3A_55 = arith.constant 128 : i32
    %add3A_56 = arith.addi %mul3A_54, %add3A_55 : i32
    %mul3A_57 = arith.constant 10240 : i32
    %mul3A_58 = arith.muli %arg0, %mul3A_57 : i32
    %add3A_59 = arith.addi %mul3A_58, %add3A_56 : i32
    "tpu.region"() ({
      %run_scoped3A = tpu.sem_alloc : memref<!tpu.dma_semaphore, #tpu.memory_space<semaphore_mem>>
      %dma_start3A = arith.constant 0 : i32
      %dma_start3A_81 = tpu.memref_slice %arg7[%add3A_59, %dma_start3A] : memref<20480x144xf32, #tpu.memory_space<hbm>> -> memref<128x144xf32, #tpu.memory_space<hbm>>
      %dma_start3A_82 = arith.constant 0 : i32
      %dma_start3A_83 = tpu.memref_slice %arg14[%add3A_56, %dma_start3A_82] : memref<10240x144xf32, #tpu.memory_space<vmem_shared>> -> memref<128x144xf32, #tpu.memory_space<vmem_shared>>
      tpu.enqueue_dma source(%dma_start3A_83 : memref<128x144xf32, #tpu.memory_space<vmem_shared>>) target(%dma_start3A_81 : memref<128x144xf32, #tpu.memory_space<hbm>>) target_semaphore(%run_scoped3A : memref<!tpu.dma_semaphore, #tpu.memory_space<semaphore_mem>>)
      %dma_wait3A = arith.constant 0 : i32
      %dma_wait3A_84 = tpu.memref_slice %arg7[%add3A_59, %dma_wait3A] : memref<20480x144xf32, #tpu.memory_space<hbm>> -> memref<128x144xf32, #tpu.memory_space<hbm>>
      %dma_wait3A_85 = arith.constant 0 : i32
      %dma_wait3A_86 = tpu.memref_slice %arg14[%add3A_56, %dma_wait3A_85] : memref<10240x144xf32, #tpu.memory_space<vmem_shared>> -> memref<128x144xf32, #tpu.memory_space<vmem_shared>>
      tpu.wait_dma2 semaphore(%run_scoped3A : memref<!tpu.dma_semaphore, #tpu.memory_space<semaphore_mem>>) src(%dma_wait3A_86 : memref<128x144xf32, #tpu.memory_space<vmem_shared>>) dst(%dma_wait3A_84 : memref<128x144xf32, #tpu.memory_space<hbm>>)
      tpu.yield
    }) : () -> ()
    %mul3A_60 = arith.constant 640 : i32
    %mul3A_61 = arith.muli %arg1, %mul3A_60 : i32
    %add3A_62 = arith.constant 256 : i32
    %add3A_63 = arith.addi %mul3A_61, %add3A_62 : i32
    %mul3A_64 = arith.constant 10240 : i32
    %mul3A_65 = arith.muli %arg0, %mul3A_64 : i32
    %add3A_66 = arith.addi %mul3A_65, %add3A_63 : i32
    "tpu.region"() ({
      %run_scoped3A = tpu.sem_alloc : memref<!tpu.dma_semaphore, #tpu.memory_space<semaphore_mem>>
      %dma_start3A = arith.constant 0 : i32
      %dma_start3A_81 = tpu.memref_slice %arg7[%add3A_66, %dma_start3A] : memref<20480x144xf32, #tpu.memory_space<hbm>> -> memref<128x144xf32, #tpu.memory_space<hbm>>
      %dma_start3A_82 = arith.constant 0 : i32
      %dma_start3A_83 = tpu.memref_slice %arg14[%add3A_63, %dma_start3A_82] : memref<10240x144xf32, #tpu.memory_space<vmem_shared>> -> memref<128x144xf32, #tpu.memory_space<vmem_shared>>
      tpu.enqueue_dma source(%dma_start3A_83 : memref<128x144xf32, #tpu.memory_space<vmem_shared>>) target(%dma_start3A_81 : memref<128x144xf32, #tpu.memory_space<hbm>>) target_semaphore(%run_scoped3A : memref<!tpu.dma_semaphore, #tpu.memory_space<semaphore_mem>>)
      %dma_wait3A = arith.constant 0 : i32
      %dma_wait3A_84 = tpu.memref_slice %arg7[%add3A_66, %dma_wait3A] : memref<20480x144xf32, #tpu.memory_space<hbm>> -> memref<128x144xf32, #tpu.memory_space<hbm>>
      %dma_wait3A_85 = arith.constant 0 : i32
      %dma_wait3A_86 = tpu.memref_slice %arg14[%add3A_63, %dma_wait3A_85] : memref<10240x144xf32, #tpu.memory_space<vmem_shared>> -> memref<128x144xf32, #tpu.memory_space<vmem_shared>>
      tpu.wait_dma2 semaphore(%run_scoped3A : memref<!tpu.dma_semaphore, #tpu.memory_space<semaphore_mem>>) src(%dma_wait3A_86 : memref<128x144xf32, #tpu.memory_space<vmem_shared>>) dst(%dma_wait3A_84 : memref<128x144xf32, #tpu.memory_space<hbm>>)
      tpu.yield
    }) : () -> ()
    %mul3A_67 = arith.constant 640 : i32
    %mul3A_68 = arith.muli %arg1, %mul3A_67 : i32
    %add3A_69 = arith.constant 384 : i32
    %add3A_70 = arith.addi %mul3A_68, %add3A_69 : i32
    %mul3A_71 = arith.constant 10240 : i32
    %mul3A_72 = arith.muli %arg0, %mul3A_71 : i32
    %add3A_73 = arith.addi %mul3A_72, %add3A_70 : i32
    "tpu.region"() ({
      %run_scoped3A = tpu.sem_alloc : memref<!tpu.dma_semaphore, #tpu.memory_space<semaphore_mem>>
      %dma_start3A = arith.constant 0 : i32
      %dma_start3A_81 = tpu.memref_slice %arg7[%add3A_73, %dma_start3A] : memref<20480x144xf32, #tpu.memory_space<hbm>> -> memref<128x144xf32, #tpu.memory_space<hbm>>
      %dma_start3A_82 = arith.constant 0 : i32
      %dma_start3A_83 = tpu.memref_slice %arg14[%add3A_70, %dma_start3A_82] : memref<10240x144xf32, #tpu.memory_space<vmem_shared>> -> memref<128x144xf32, #tpu.memory_space<vmem_shared>>
      tpu.enqueue_dma source(%dma_start3A_83 : memref<128x144xf32, #tpu.memory_space<vmem_shared>>) target(%dma_start3A_81 : memref<128x144xf32, #tpu.memory_space<hbm>>) target_semaphore(%run_scoped3A : memref<!tpu.dma_semaphore, #tpu.memory_space<semaphore_mem>>)
      %dma_wait3A = arith.constant 0 : i32
      %dma_wait3A_84 = tpu.memref_slice %arg7[%add3A_73, %dma_wait3A] : memref<20480x144xf32, #tpu.memory_space<hbm>> -> memref<128x144xf32, #tpu.memory_space<hbm>>
      %dma_wait3A_85 = arith.constant 0 : i32
      %dma_wait3A_86 = tpu.memref_slice %arg14[%add3A_70, %dma_wait3A_85] : memref<10240x144xf32, #tpu.memory_space<vmem_shared>> -> memref<128x144xf32, #tpu.memory_space<vmem_shared>>
      tpu.wait_dma2 semaphore(%run_scoped3A : memref<!tpu.dma_semaphore, #tpu.memory_space<semaphore_mem>>) src(%dma_wait3A_86 : memref<128x144xf32, #tpu.memory_space<vmem_shared>>) dst(%dma_wait3A_84 : memref<128x144xf32, #tpu.memory_space<hbm>>)
      tpu.yield
    }) : () -> ()
    %mul3A_74 = arith.constant 640 : i32
    %mul3A_75 = arith.muli %arg1, %mul3A_74 : i32
    %add3A_76 = arith.constant 512 : i32
    %add3A_77 = arith.addi %mul3A_75, %add3A_76 : i32
    %mul3A_78 = arith.constant 10240 : i32
    %mul3A_79 = arith.muli %arg0, %mul3A_78 : i32
    %add3A_80 = arith.addi %mul3A_79, %add3A_77 : i32
    "tpu.region"() ({
      %run_scoped3A = tpu.sem_alloc : memref<!tpu.dma_semaphore, #tpu.memory_space<semaphore_mem>>
      %dma_start3A = arith.constant 0 : i32
      %dma_start3A_81 = tpu.memref_slice %arg7[%add3A_80, %dma_start3A] : memref<20480x144xf32, #tpu.memory_space<hbm>> -> memref<128x144xf32, #tpu.memory_space<hbm>>
      %dma_start3A_82 = arith.constant 0 : i32
      %dma_start3A_83 = tpu.memref_slice %arg14[%add3A_77, %dma_start3A_82] : memref<10240x144xf32, #tpu.memory_space<vmem_shared>> -> memref<128x144xf32, #tpu.memory_space<vmem_shared>>
      tpu.enqueue_dma source(%dma_start3A_83 : memref<128x144xf32, #tpu.memory_space<vmem_shared>>) target(%dma_start3A_81 : memref<128x144xf32, #tpu.memory_space<hbm>>) target_semaphore(%run_scoped3A : memref<!tpu.dma_semaphore, #tpu.memory_space<semaphore_mem>>)
      %dma_wait3A = arith.constant 0 : i32
      %dma_wait3A_84 = tpu.memref_slice %arg7[%add3A_80, %dma_wait3A] : memref<20480x144xf32, #tpu.memory_space<hbm>> -> memref<128x144xf32, #tpu.memory_space<hbm>>
      %dma_wait3A_85 = arith.constant 0 : i32
      %dma_wait3A_86 = tpu.memref_slice %arg14[%add3A_77, %dma_wait3A_85] : memref<10240x144xf32, #tpu.memory_space<vmem_shared>> -> memref<128x144xf32, #tpu.memory_space<vmem_shared>>
      tpu.wait_dma2 semaphore(%run_scoped3A : memref<!tpu.dma_semaphore, #tpu.memory_space<semaphore_mem>>) src(%dma_wait3A_86 : memref<128x144xf32, #tpu.memory_space<vmem_shared>>) dst(%dma_wait3A_84 : memref<128x144xf32, #tpu.memory_space<hbm>>)
      tpu.yield
    }) : () -> ()
    return
  }
}

module attributes {stable_mosaic.version = 14 : i64} {
  func.func @_pre_node_body(%arg0: i32, %arg1: i32, %arg2: memref<1000x128xf32, #tpu.memory_space<vmem>>, %arg3: memref<1x144x128xf32, #tpu.memory_space<vmem>>, %arg4: memref<1x144x128xf32, #tpu.memory_space<vmem>>, %arg5: memref<1000x144xf32, #tpu.memory_space<vmem>>, %arg6: memref<1000x144xf32, #tpu.memory_space<vmem>>) attributes {dimension_semantics = [#tpu.dimension_semantics<arbitrary>, #tpu.dimension_semantics<arbitrary>], iteration_bounds = array<i64: 2, 10>, scalar_prefetch = 0 : i64, scratch_operands = 0 : i64, tpu.core_type = #tpu.core_type<tc>, window_params = [{transform_indices = @transform_0, window_bounds = array<i64: 1000, 128>}, {transform_indices = @transform_1, window_bounds = array<i64: 1, 144, 128>}, {transform_indices = @transform_2, window_bounds = array<i64: 1, 144, 128>}, {transform_indices = @transform_3, window_bounds = array<i64: 1000, 144>}, {transform_indices = @transform_4, window_bounds = array<i64: 1000, 144>}]} {
    %get3A = arith.constant 0 : index
    %get3A_0 = arith.constant 0 : index
    %get3A_1 = vector.load %arg2[%get3A, %get3A_0] : memref<1000x128xf32, #tpu.memory_space<vmem>>, vector<1000x128xf32>
    %get3A_2 = arith.constant 0 : index
    %get3A_3 = arith.constant 0 : index
    %get3A_4 = arith.constant 0 : index
    %get3A_5 = vector.load %arg3[%get3A_2, %get3A_3, %get3A_4] : memref<1x144x128xf32, #tpu.memory_space<vmem>>, vector<1x144x128xf32>
    %get3A_6 = vector.shape_cast %get3A_5 : vector<1x144x128xf32> to vector<144x128xf32>
    %dot_general3A = arith.constant dense<0.000000e+00> : vector<1000x144xf32>
    %dot_general3A_7 = tpu.matmul %get3A_1, %get3A_6, %dot_general3A {dimension_numbers = #tpu.dot_dimension_numbers<[1], [1], [0], [0], [0, 0, 1, 0], [], []>, transpose_lhs_hint = false} : vector<1000x128xf32>, vector<144x128xf32>, vector<1000x144xf32> -> vector<1000x144xf32>
    %swap3A = arith.constant 0 : index
    %swap3A_8 = arith.constant 0 : index
    %swap3A_9 = vector.load %arg5[%swap3A, %swap3A_8] : memref<1000x144xf32, #tpu.memory_space<vmem>>, vector<1000x144xf32>
    tpu.vector_store %arg5[%swap3A, %swap3A_8], %dot_general3A_7 {strides = array<i32>} : memref<1000x144xf32, #tpu.memory_space<vmem>>, vector<1000x144xf32>,
    %get3A_10 = arith.constant 0 : index
    %get3A_11 = arith.constant 0 : index
    %get3A_12 = arith.constant 0 : index
    %get3A_13 = vector.load %arg4[%get3A_10, %get3A_11, %get3A_12] : memref<1x144x128xf32, #tpu.memory_space<vmem>>, vector<1x144x128xf32>
    %get3A_14 = vector.shape_cast %get3A_13 : vector<1x144x128xf32> to vector<144x128xf32>
    %dot_general3A_15 = arith.constant dense<0.000000e+00> : vector<1000x144xf32>
    %dot_general3A_16 = tpu.matmul %get3A_1, %get3A_14, %dot_general3A_15 {dimension_numbers = #tpu.dot_dimension_numbers<[1], [1], [0], [0], [0, 0, 1, 0], [], []>, transpose_lhs_hint = false} : vector<1000x128xf32>, vector<144x128xf32>, vector<1000x144xf32> -> vector<1000x144xf32>
    %swap3A_17 = arith.constant 0 : index
    %swap3A_18 = arith.constant 0 : index
    %swap3A_19 = vector.load %arg6[%swap3A_17, %swap3A_18] : memref<1000x144xf32, #tpu.memory_space<vmem>>, vector<1000x144xf32>
    tpu.vector_store %arg6[%swap3A_17, %swap3A_18], %dot_general3A_16 {strides = array<i32>} : memref<1000x144xf32, #tpu.memory_space<vmem>>, vector<1000x144xf32>,
    return
  }
  func.func @transform_0(%arg0: i32, %arg1: i32) -> (i32, i32) {
    %c0_i32 = arith.constant 0 : i32
    %c0_i32_0 = arith.constant 0 : i32
    return %arg1, %c0_i32 : i32, i32
  }
  func.func @transform_1(%arg0: i32, %arg1: i32) -> (i32, i32, i32) {
    %c0_i32 = arith.constant 0 : i32
    %c0_i32_0 = arith.constant 0 : i32
    %c0_i32_1 = arith.constant 0 : i32
    return %arg0, %c0_i32, %c0_i32_0 : i32, i32, i32
  }
  func.func @transform_2(%arg0: i32, %arg1: i32) -> (i32, i32, i32) {
    %c0_i32 = arith.constant 0 : i32
    %c0_i32_0 = arith.constant 0 : i32
    %c0_i32_1 = arith.constant 0 : i32
    return %arg0, %c0_i32, %c0_i32_0 : i32, i32, i32
  }
  func.func @transform_3(%arg0: i32, %arg1: i32) -> (i32, i32) {
    %mul3A = arith.constant 10 : i32
    %mul3A_0 = arith.muli %arg0, %mul3A : i32
    %add3A = arith.addi %mul3A_0, %arg1 : i32
    %c0_i32 = arith.constant 0 : i32
    %c0_i32_1 = arith.constant 0 : i32
    return %add3A, %c0_i32 : i32, i32
  }
  func.func @transform_4(%arg0: i32, %arg1: i32) -> (i32, i32) {
    %mul3A = arith.constant 10 : i32
    %mul3A_0 = arith.muli %arg0, %mul3A : i32
    %add3A = arith.addi %mul3A_0, %arg1 : i32
    %c0_i32 = arith.constant 0 : i32
    %c0_i32_1 = arith.constant 0 : i32
    return %add3A, %c0_i32 : i32, i32
  }
}

module attributes {stable_mosaic.version = 14 : i64} {
  func.func @_pre_edge_body(%arg0: i32, %arg1: i32, %arg2: memref<4000x8xf32, #tpu.memory_space<vmem>>, %arg3: memref<1x144x8xf32, #tpu.memory_space<vmem>>, %arg4: memref<4000x144xf32, #tpu.memory_space<vmem>>) attributes {dimension_semantics = [#tpu.dimension_semantics<arbitrary>, #tpu.dimension_semantics<arbitrary>], iteration_bounds = array<i64: 2, 80>, scalar_prefetch = 0 : i64, scratch_operands = 0 : i64, tpu.core_type = #tpu.core_type<tc>, window_params = [{transform_indices = @transform_0, window_bounds = array<i64: 4000, 8>}, {transform_indices = @transform_1, window_bounds = array<i64: 1, 144, 8>}, {transform_indices = @transform_2, window_bounds = array<i64: 4000, 144>}]} {
    %get3A = arith.constant 0 : index
    %get3A_0 = arith.constant 0 : index
    %get3A_1 = vector.load %arg2[%get3A, %get3A_0] : memref<4000x8xf32, #tpu.memory_space<vmem>>, vector<4000x8xf32>
    %get3A_2 = arith.constant 0 : index
    %get3A_3 = arith.constant 0 : index
    %get3A_4 = arith.constant 0 : index
    %get3A_5 = vector.load %arg3[%get3A_2, %get3A_3, %get3A_4] : memref<1x144x8xf32, #tpu.memory_space<vmem>>, vector<1x144x8xf32>
    %get3A_6 = vector.shape_cast %get3A_5 : vector<1x144x8xf32> to vector<144x8xf32>
    %dot_general3A = arith.constant dense<0.000000e+00> : vector<4000x144xf32>
    %dot_general3A_7 = tpu.matmul %get3A_1, %get3A_6, %dot_general3A {dimension_numbers = #tpu.dot_dimension_numbers<[1], [1], [0], [0], [0, 0, 1, 0], [], []>, transpose_lhs_hint = false} : vector<4000x8xf32>, vector<144x8xf32>, vector<4000x144xf32> -> vector<4000x144xf32>
    %swap3A = arith.constant 0 : index
    %swap3A_8 = arith.constant 0 : index
    %swap3A_9 = vector.load %arg4[%swap3A, %swap3A_8] : memref<4000x144xf32, #tpu.memory_space<vmem>>, vector<4000x144xf32>
    tpu.vector_store %arg4[%swap3A, %swap3A_8], %dot_general3A_7 {strides = array<i32>} : memref<4000x144xf32, #tpu.memory_space<vmem>>, vector<4000x144xf32>,
    return
  }
  func.func @transform_0(%arg0: i32, %arg1: i32) -> (i32, i32) {
    %c0_i32 = arith.constant 0 : i32
    %c0_i32_0 = arith.constant 0 : i32
    return %arg1, %c0_i32 : i32, i32
  }
  func.func @transform_1(%arg0: i32, %arg1: i32) -> (i32, i32, i32) {
    %c0_i32 = arith.constant 0 : i32
    %c0_i32_0 = arith.constant 0 : i32
    %c0_i32_1 = arith.constant 0 : i32
    return %arg0, %c0_i32, %c0_i32_0 : i32, i32, i32
  }
  func.func @transform_2(%arg0: i32, %arg1: i32) -> (i32, i32) {
    %mul3A = arith.constant 80 : i32
    %mul3A_0 = arith.muli %arg0, %mul3A : i32
    %add3A = arith.addi %mul3A_0, %arg1 : i32
    %c0_i32 = arith.constant 0 : i32
    %c0_i32_1 = arith.constant 0 : i32
    return %add3A, %c0_i32 : i32, i32
  }
}

module attributes {stable_mosaic.version = 14 : i64} {
  func.func @_post_body(%arg0: i32, %arg1: memref<1000x144xf32, #tpu.memory_space<vmem>>, %arg2: memref<1000x144xf32, #tpu.memory_space<vmem>>, %arg3: memref<1000x128xf32, #tpu.memory_space<vmem>>, %arg4: memref<1000x1xf32, #tpu.memory_space<vmem>>, %arg5: memref<128x144xf32, #tpu.memory_space<vmem>>, %arg6: memref<128x144xf32, #tpu.memory_space<vmem>>, %arg7: memref<384x128xf32, #tpu.memory_space<vmem>>, %arg8: memref<384x128xf32, #tpu.memory_space<vmem>>, %arg9: memref<1x128xf32, #tpu.memory_space<vmem>>, %arg10: memref<1x128xf32, #tpu.memory_space<vmem>>, %arg11: memref<1000x128xf32, #tpu.memory_space<vmem>>) attributes {dimension_semantics = [#tpu.dimension_semantics<arbitrary>], iteration_bounds = array<i64: 10>, scalar_prefetch = 0 : i64, scratch_operands = 0 : i64, tpu.core_type = #tpu.core_type<tc>, window_params = [{transform_indices = @transform_0, window_bounds = array<i64: 1000, 144>}, {transform_indices = @transform_1, window_bounds = array<i64: 1000, 144>}, {transform_indices = @transform_2, window_bounds = array<i64: 1000, 128>}, {transform_indices = @transform_3, window_bounds = array<i64: 1000, 1>}, {pipeline_mode = #tpu.pipeline_mode<synchronous>, transform_indices = @transform_4, window_bounds = array<i64: 128, 144>}, {pipeline_mode = #tpu.pipeline_mode<synchronous>, transform_indices = @transform_5, window_bounds = array<i64: 128, 144>}, {pipeline_mode = #tpu.pipeline_mode<synchronous>, transform_indices = @transform_6, window_bounds = array<i64: 384, 128>}, {pipeline_mode = #tpu.pipeline_mode<synchronous>, transform_indices = @transform_7, window_bounds = array<i64: 384, 128>}, {pipeline_mode = #tpu.pipeline_mode<synchronous>, transform_indices = @transform_8, window_bounds = array<i64: 1, 128>}, {pipeline_mode = #tpu.pipeline_mode<synchronous>, transform_indices = @transform_9, window_bounds = array<i64: 1, 128>}, {transform_indices = @transform_10, window_bounds = array<i64: 1000, 128>}]} {
    %get3A = arith.constant 0 : index
    %get3A_0 = arith.constant 0 : index
    %get3A_1 = vector.load %arg1[%get3A, %get3A_0] : memref<1000x144xf32, #tpu.memory_space<vmem>>, vector<1000x144xf32>
    %get3A_2 = arith.constant 0 : index
    %get3A_3 = arith.constant 0 : index
    %get3A_4 = vector.load %arg5[%get3A_2, %get3A_3] : memref<128x144xf32, #tpu.memory_space<vmem>>, vector<128x144xf32>
    %dot_general3A = arith.constant dense<0.000000e+00> : vector<1000x128xf32>
    %dot_general3A_5 = tpu.matmul %get3A_1, %get3A_4, %dot_general3A {dimension_numbers = #tpu.dot_dimension_numbers<[1], [1], [0], [0], [0, 0, 1, 0], [], []>, transpose_lhs_hint = false} : vector<1000x144xf32>, vector<128x144xf32>, vector<1000x128xf32> -> vector<1000x128xf32>
    %get3A_6 = arith.constant 0 : index
    %get3A_7 = arith.constant 0 : index
    %get3A_8 = vector.load %arg2[%get3A_6, %get3A_7] : memref<1000x144xf32, #tpu.memory_space<vmem>>, vector<1000x144xf32>
    %get3A_9 = arith.constant 0 : index
    %get3A_10 = arith.constant 0 : index
    %get3A_11 = vector.load %arg6[%get3A_9, %get3A_10] : memref<128x144xf32, #tpu.memory_space<vmem>>, vector<128x144xf32>
    %dot_general3A_12 = arith.constant dense<0.000000e+00> : vector<1000x128xf32>
    %dot_general3A_13 = tpu.matmul %get3A_8, %get3A_11, %dot_general3A_12 {dimension_numbers = #tpu.dot_dimension_numbers<[1], [1], [0], [0], [0, 0, 1, 0], [], []>, transpose_lhs_hint = false} : vector<1000x144xf32>, vector<128x144xf32>, vector<1000x128xf32> -> vector<1000x128xf32>
    %add3A = arith.addf %dot_general3A_5, %dot_general3A_13 : vector<1000x128xf32>
    %get3A_14 = arith.constant 0 : index
    %get3A_15 = arith.constant 0 : index
    %get3A_16 = vector.load %arg7[%get3A_14, %get3A_15] : memref<384x128xf32, #tpu.memory_space<vmem>>, vector<384x128xf32>
    %dot_general3A_17 = arith.constant dense<0.000000e+00> : vector<1000x384xf32>
    %dot_general3A_18 = tpu.matmul %add3A, %get3A_16, %dot_general3A_17 {dimension_numbers = #tpu.dot_dimension_numbers<[1], [1], [0], [0], [0, 0, 1, 0], [], []>, transpose_lhs_hint = false} : vector<1000x128xf32>, vector<384x128xf32>, vector<1000x384xf32> -> vector<1000x384xf32>
    %get3A_19 = arith.constant 0 : index
    %get3A_20 = arith.constant 0 : index
    %get3A_21 = vector.load %arg3[%get3A_19, %get3A_20] : memref<1000x128xf32, #tpu.memory_space<vmem>>, vector<1000x128xf32>
    %get3A_22 = arith.constant 0 : index
    %get3A_23 = arith.constant 0 : index
    %get3A_24 = vector.load %arg8[%get3A_22, %get3A_23] : memref<384x128xf32, #tpu.memory_space<vmem>>, vector<384x128xf32>
    %dot_general3A_25 = arith.constant dense<0.000000e+00> : vector<1000x384xf32>
    %dot_general3A_26 = tpu.matmul %get3A_21, %get3A_24, %dot_general3A_25 {dimension_numbers = #tpu.dot_dimension_numbers<[1], [1], [0], [0], [0, 0, 1, 0], [], []>, transpose_lhs_hint = false} : vector<1000x128xf32>, vector<384x128xf32>, vector<1000x384xf32> -> vector<1000x384xf32>
    %slice3A = vector.extract_strided_slice %dot_general3A_18 {offsets = [0, 0], sizes = [1000, 128], strides = [1, 1]} : vector<1000x384xf32> to vector<1000x128xf32>
    %slice3A_27 = vector.extract_strided_slice %dot_general3A_26 {offsets = [0, 0], sizes = [1000, 128], strides = [1, 1]} : vector<1000x384xf32> to vector<1000x128xf32>
    %add3A_28 = arith.addf %slice3A, %slice3A_27 : vector<1000x128xf32>
    %logistic3A = arith.negf %add3A_28 : vector<1000x128xf32>
    %logistic3A_29 = math.exp %logistic3A : vector<1000x128xf32>
    %logistic3A_30 = arith.constant 1.000000e+00 : f32
    %logistic3A_31 = vector.broadcast %logistic3A_30 : f32 to vector<1000x128xf32>
    %logistic3A_32 = arith.addf %logistic3A_31, %logistic3A_29 : vector<1000x128xf32>
    %logistic3A_33 = arith.divf %logistic3A_31, %logistic3A_32 : vector<1000x128xf32>
    %slice3A_34 = vector.extract_strided_slice %dot_general3A_18 {offsets = [0, 128], sizes = [1000, 128], strides = [1, 1]} : vector<1000x384xf32> to vector<1000x128xf32>
    %slice3A_35 = vector.extract_strided_slice %dot_general3A_26 {offsets = [0, 128], sizes = [1000, 128], strides = [1, 1]} : vector<1000x384xf32> to vector<1000x128xf32>
    %add3A_36 = arith.addf %slice3A_34, %slice3A_35 : vector<1000x128xf32>
    %logistic3A_37 = arith.negf %add3A_36 : vector<1000x128xf32>
    %logistic3A_38 = math.exp %logistic3A_37 : vector<1000x128xf32>
    %logistic3A_39 = arith.constant 1.000000e+00 : f32
    %logistic3A_40 = vector.broadcast %logistic3A_39 : f32 to vector<1000x128xf32>
    %logistic3A_41 = arith.addf %logistic3A_40, %logistic3A_38 : vector<1000x128xf32>
    %logistic3A_42 = arith.divf %logistic3A_40, %logistic3A_41 : vector<1000x128xf32>
    %slice3A_43 = vector.extract_strided_slice %dot_general3A_18 {offsets = [0, 256], sizes = [1000, 128], strides = [1, 1]} : vector<1000x384xf32> to vector<1000x128xf32>
    %slice3A_44 = vector.extract_strided_slice %dot_general3A_26 {offsets = [0, 256], sizes = [1000, 128], strides = [1, 1]} : vector<1000x384xf32> to vector<1000x128xf32>
    %mul3A = arith.mulf %logistic3A_33, %slice3A_44 : vector<1000x128xf32>
    %add3A_45 = arith.addf %slice3A_43, %mul3A : vector<1000x128xf32>
    %tanh3A = math.tanh %add3A_45 : vector<1000x128xf32>
    %sub3A = arith.constant 1.000000e+00 : f32
    %sub3A_46 = vector.broadcast %sub3A : f32 to vector<1000x128xf32>
    %sub3A_47 = arith.subf %sub3A_46, %logistic3A_42 : vector<1000x128xf32>
    %mul3A_48 = arith.mulf %sub3A_47, %tanh3A : vector<1000x128xf32>
    %mul3A_49 = arith.mulf %logistic3A_42, %get3A_21 : vector<1000x128xf32>
    %add3A_50 = arith.addf %mul3A_48, %mul3A_49 : vector<1000x128xf32>
    %get3A_51 = arith.constant 0 : index
    %get3A_52 = arith.constant 0 : index
    %get3A_53 = vector.load %arg4[%get3A_51, %get3A_52] : memref<1000x1xf32, #tpu.memory_space<vmem>>, vector<1000x1xf32>
    %mul3A_54 = vector.broadcast %get3A_53 : vector<1000x1xf32> to vector<1000x128xf32>
    %mul3A_55 = arith.mulf %add3A_50, %mul3A_54 : vector<1000x128xf32>
    %reduce_sum3A = arith.constant dense<0.000000e+00> : vector<1000xf32>
    %reduce_sum3A_56 = vector.multi_reduction <add>, %mul3A_55, %reduce_sum3A [1] : vector<1000x128xf32> to vector<1000xf32>
    %broadcast_in_dim3A = vector.shape_cast %reduce_sum3A_56 : vector<1000xf32> to vector<1000x1xf32>
    %div3A = arith.constant 1.280000e+02 : f32
    %div3A_57 = vector.broadcast %div3A : f32 to vector<1000x1xf32>
    %div3A_58 = arith.divf %broadcast_in_dim3A, %div3A_57 : vector<1000x1xf32>
    %sub3A_59 = vector.broadcast %div3A_58 : vector<1000x1xf32> to vector<1000x128xf32>
    %sub3A_60 = arith.subf %mul3A_55, %sub3A_59 : vector<1000x128xf32>
    %integer_pow3A = arith.mulf %sub3A_60, %sub3A_60 : vector<1000x128xf32>
    %reduce_sum3A_61 = arith.constant dense<0.000000e+00> : vector<1000xf32>
    %reduce_sum3A_62 = vector.multi_reduction <add>, %integer_pow3A, %reduce_sum3A_61 [1] : vector<1000x128xf32> to vector<1000xf32>
    %broadcast_in_dim3A_63 = vector.shape_cast %reduce_sum3A_62 : vector<1000xf32> to vector<1000x1xf32>
    %div3A_64 = arith.constant 1.280000e+02 : f32
    %div3A_65 = vector.broadcast %div3A_64 : f32 to vector<1000x1xf32>
    %div3A_66 = arith.divf %broadcast_in_dim3A_63, %div3A_65 : vector<1000x1xf32>
    %sub3A_67 = vector.broadcast %div3A_58 : vector<1000x1xf32> to vector<1000x128xf32>
    %sub3A_68 = arith.subf %mul3A_55, %sub3A_67 : vector<1000x128xf32>
    %add3A_69 = arith.constant 9.99999974E-6 : f32
    %add3A_70 = vector.broadcast %add3A_69 : f32 to vector<1000x1xf32>
    %add3A_71 = arith.addf %div3A_66, %add3A_70 : vector<1000x1xf32>
    %rsqrt3A = math.rsqrt %add3A_71 : vector<1000x1xf32>
    %mul3A_72 = vector.broadcast %rsqrt3A : vector<1000x1xf32> to vector<1000x128xf32>
    %mul3A_73 = arith.mulf %sub3A_68, %mul3A_72 : vector<1000x128xf32>
    %get3A_74 = arith.constant 0 : index
    %get3A_75 = arith.constant 0 : index
    %get3A_76 = vector.load %arg9[%get3A_74, %get3A_75] : memref<1x128xf32, #tpu.memory_space<vmem>>, vector<1x128xf32>
    %mul3A_77 = vector.broadcast %get3A_76 : vector<1x128xf32> to vector<1000x128xf32>
    %mul3A_78 = arith.mulf %mul3A_73, %mul3A_77 : vector<1000x128xf32>
    %get3A_79 = arith.constant 0 : index
    %get3A_80 = arith.constant 0 : index
    %get3A_81 = vector.load %arg10[%get3A_79, %get3A_80] : memref<1x128xf32, #tpu.memory_space<vmem>>, vector<1x128xf32>
    %add3A_82 = vector.broadcast %get3A_81 : vector<1x128xf32> to vector<1000x128xf32>
    %add3A_83 = arith.addf %mul3A_78, %add3A_82 : vector<1000x128xf32>
    %max3A = arith.constant 0.000000e+00 : f32
    %max3A_84 = vector.broadcast %max3A : f32 to vector<1000x128xf32>
    %max3A_85 = arith.maximumf %add3A_83, %max3A_84 : vector<1000x128xf32>
    %swap3A = arith.constant 0 : index
    %swap3A_86 = arith.constant 0 : index
    %swap3A_87 = vector.load %arg11[%swap3A, %swap3A_86] : memref<1000x128xf32, #tpu.memory_space<vmem>>, vector<1000x128xf32>
    tpu.vector_store %arg11[%swap3A, %swap3A_86], %max3A_85 {strides = array<i32>} : memref<1000x128xf32, #tpu.memory_space<vmem>>, vector<1000x128xf32>,
    return
  }
  func.func @transform_0(%arg0: i32) -> (i32, i32) {
    %c0_i32 = arith.constant 0 : i32
    %c0_i32_0 = arith.constant 0 : i32
    return %arg0, %c0_i32 : i32, i32
  }
  func.func @transform_1(%arg0: i32) -> (i32, i32) {
    %c0_i32 = arith.constant 0 : i32
    %c0_i32_0 = arith.constant 0 : i32
    return %arg0, %c0_i32 : i32, i32
  }
  func.func @transform_2(%arg0: i32) -> (i32, i32) {
    %c0_i32 = arith.constant 0 : i32
    %c0_i32_0 = arith.constant 0 : i32
    return %arg0, %c0_i32 : i32, i32
  }
  func.func @transform_3(%arg0: i32) -> (i32, i32) {
    %c0_i32 = arith.constant 0 : i32
    %c0_i32_0 = arith.constant 0 : i32
    return %arg0, %c0_i32 : i32, i32
  }
  func.func @transform_4(%arg0: i32) -> (i32, i32) {
    %c0_i32 = arith.constant 0 : i32
    %c0_i32_0 = arith.constant 0 : i32
    %c0_i32_1 = arith.constant 0 : i32
    return %c0_i32, %c0_i32_0 : i32, i32
  }
  func.func @transform_5(%arg0: i32) -> (i32, i32) {
    %c0_i32 = arith.constant 0 : i32
    %c0_i32_0 = arith.constant 0 : i32
    %c0_i32_1 = arith.constant 0 : i32
    return %c0_i32, %c0_i32_0 : i32, i32
  }
  func.func @transform_6(%arg0: i32) -> (i32, i32) {
    %c0_i32 = arith.constant 0 : i32
    %c0_i32_0 = arith.constant 0 : i32
    %c0_i32_1 = arith.constant 0 : i32
    return %c0_i32, %c0_i32_0 : i32, i32
  }
  func.func @transform_7(%arg0: i32) -> (i32, i32) {
    %c0_i32 = arith.constant 0 : i32
    %c0_i32_0 = arith.constant 0 : i32
    %c0_i32_1 = arith.constant 0 : i32
    return %c0_i32, %c0_i32_0 : i32, i32
  }
  func.func @transform_8(%arg0: i32) -> (i32, i32) {
    %c0_i32 = arith.constant 0 : i32
    %c0_i32_0 = arith.constant 0 : i32
    %c0_i32_1 = arith.constant 0 : i32
    return %c0_i32, %c0_i32_0 : i32, i32
  }
  func.func @transform_9(%arg0: i32) -> (i32, i32) {
    %c0_i32 = arith.constant 0 : i32
    %c0_i32_0 = arith.constant 0 : i32
    %c0_i32_1 = arith.constant 0 : i32
    return %c0_i32, %c0_i32_0 : i32, i32
  }
  func.func @transform_10(%arg0: i32) -> (i32, i32) {
    %c0_i32 = arith.constant 0 : i32
    %c0_i32_0 = arith.constant 0 : i32
    return %arg0, %c0_i32 : i32, i32
  }
}

</mosaic_0001>

<sc_bundles>
// kernel: kernel.6.cloned.1.call-start
scs
__scs_entry_jumppad:
0x0: {  	(pc) =	sbr.rel $0x88, $3  }
0x1: {  	(tag) =	ssettag $0x0;
	lr =	simm.s32 $0x1  }
0x2: {  	[smem:$0x3F97] =	sst lr;
	_ =	strace $0xD0000000  }
0x3: {  	_ = 	snop  }
0x4: {  	_ = 	snop  }
0x5: {  	_ = 	snop  }
0x6: {  	_ = 	snop  }
0x7: {  	_ = 	snop  }
__scs_overlays_trampoline_lowered:
0x8: {  	[smem:$0x3FA6] =	sst s0  }
0x9: {  	[smem:$0x3FA7] =	sst s1  }
0xa: {  	[smem:$0x3FA8] =	sst s2  }
0xb: {  	[smem:$0x3FA9] =	sst s3  }
0xc: {  	[smem:$0x3FAA] =	sst s4  }
0xd: {  	[smem:$0x3FAB] =	sst s5  }
0xe: {  	[smem:$0x3FAC] =	sst s6  }
0xf: {  	[smem:$0x3FAD] =	sst s7  }
0x10: {  	[smem:$0x3FAE] =	sst s8  }
0x11: {  	[smem:$0x3FAF] =	sst s9;
	s0 =	simm.s32 @!p0 $0x0  }
0x12: {  	s1 =	sld [smem:$0x3F95];
	s0 =	simm.s32 @p0 $0x1  }
0x13: {  	[smem:$0x3FB0] =	sst s0;
	s0 =	simm.s32 @!p1 $0x0  }
0x14: {  	s2 =	sld [smem:$0x3F94];
	s0 =	simm.s32 @p1 $0x1  }
0x15: {  	[smem:$0x3FB1] =	sst s0;
	s0 =	simm.s32 @!p2 $0x0  }
0x16: {  	s3 =	sld [smem:$0x3FDB];
	s0 =	simm.s32 @p2 $0x1  }
0x17: {  	s4 =	simm.s32 $0x1BF5;
	[smem:$0x3FB3] =	sst s0  }
0x18: {  	s0 =	sld [smem:$0x3F96];
	_ =	swait.ge [sflag:s4], $0x0  }
0x19: {  	s7 =	sld [smem:$0x3F97]  }
0x1a: {  	s8 =	sadd.s32 $0xFFFFE003, lr  }
0x1b: {  	s9 =	sadd.s32 $0xFFFFFEF7, lr;
	s5 =	simm.s32 $0xFFFFFFFF;
	p2 =	slt.u32 s8, $0xFFFFF086  }
0x1c: {  	p1 =	slt.u32 s9, $0xF7A;
	s5 =	simm.s32 @!p2 $0x0  }
0x1d: {  	s5 =	simm.s32 @p1 $0x1;
	p0 =	seq.s32 s7, s2  }
0x1e: {  	s7 =	smul.u32 @!p0 $0xF7A, s2;
	p2 =	seq.s32 @!p0 s5, $0x0  }
0x1f: {  	s9 =	smul.u32 $0xF7A, s1;
	s8 =	simm.s32 @!p0 $0x1BF5;
	p2 =	por !p2, p0  }
0x20: {  	[sflag:s8] =	ssyncset.s32 @!p0 $0xFFFFF086;
	s6 =	sadd.s32 @!p0 s3, s7;
	s7 =	simm.s32 @!p0 $0x108  }
0x21: {  	s3 =	sadd.s32 s3, s9;
	s6 =	sadd.s32 @!p0 $0x88, s6;
	s7 =	simm.s32 @p2 $0x1082  }
0x22: {  	[simem:s7], [sflag:s8] =	dma.local @!p0 [hbm:s6], $0xF7A  }
0x23: {  	s9 =	sor.u32 $0xD0000000, s2;
	s6 =	simm.s32 $0x108;
	_ =	swait.ge @!p0 [sflag:s8], $0x0  }
0x24: {  	s3 =	sadd.s32 $0x88, s3;
	s6 =	simm.s32 @!p1 $0x1082;
	[sflag:s4] =	ssyncset.s32 $0xFFFFF086  }
0x25: {  	[simem:s6], [sflag:s4] =	dma.local [hbm:s3], $0xF7A  }
0x26: {  	[smem:$0x3F97] =	sst s1;
	(tag) =	ssettag s2;
	_ =	strace s9  }
0x27: {  	s1 =	sld [smem:$0x3FA7]  }
0x28: {  	s2 =	sld [smem:$0x3FA8]  }
0x29: {  	s4 =	sld [smem:$0x3FAA]  }
0x2a: {  	p0 =	seq.s32 s5, $0x0;
	s5 =	sld [smem:$0x3FAB]  }
0x2b: {  	s6 =	sld [smem:$0x3FAC]  }
0x2c: {  	s7 =	sld [smem:$0x3FAD]  }
0x2d: {  	s3 =	simm.s32 $0x108;
	s8 =	sld [smem:$0x3FAE]  }
0x2e: {  	s3 =	simm.s32 @!p0 $0x1082;
	s9 =	sld [smem:$0x3FAF]  }
0x2f: {  	lr =	sadd.s32 s0, s3;
	s0 =	sld [smem:$0x3FA6]  }
0x30: {  	s3 =	sld [smem:$0x3FA9]  }
0x31: {  	[smem:$0x3FB2] =	sst s10  }
0x32: {  	s10 =	sld [smem:$0x3FB0];
	_ =	sdelay $0x3  }
0x33: {  	p0 =	seq.s32 s10, $0x1;
	s10 =	sld [smem:$0x3FB2];
	_ =	sdelay $0x3  }
0x34: {  	[smem:$0x3FB2] =	sst s10  }
0x35: {  	s10 =	sld [smem:$0x3FB1];
	_ =	sdelay $0x3  }
0x36: {  	p1 =	seq.s32 s10, $0x1;
	s10 =	sld [smem:$0x3FB2];
	_ =	sdelay $0x3  }
0x37: {  	[smem:$0x3FB2] =	sst s10  }
0x38: {  	s10 =	sld [smem:$0x3FB3]  }
0x39: {  	_ = 	snop;
	(pc) =	sbr.ind lr, $3  }
0x3a: {  	_ = 	snop  }
0x3b: {  	_ = 	snop  }
0x3c: {  	p2 =	seq.s32 s10, $0x1;
	s10 =	sld [smem:$0x3FB2]  }
0x3d: {  	_ =	shalt  }
0x3e: {  	_ =	shalt  }
0x3f: {  	_ =	shalt  }
0x40: {  	_ =	shalt  }
0x41: {  	_ =	shalt  }
0x42: {  	_ =	shalt  }
0x43: {  	_ =	shalt  }
0x44: {  	_ =	shalt  }
0x45: {  	_ =	shalt  }
0x46: {  	_ =	shalt  }
0x47: {  	_ =	shalt  }
0x48: {  	_ =	shalt  }
0x49: {  	_ =	shalt  }
0x4a: {  	_ =	shalt  }
0x4b: {  	_ =	shalt  }
0x4c: {  	_ =	shalt  }
0x4d: {  	_ =	shalt  }
0x4e: {  	_ =	shalt  }
0x4f: {  	_ =	shalt  }
0x50: {  	_ =	shalt  }
0x51: {  	_ =	shalt  }
0x52: {  	_ =	shalt  }
0x53: {  	_ =	shalt  }
0x54: {  	_ =	shalt  }
0x55: {  	_ =	shalt  }
0x56: {  	_ =	shalt  }
0x57: {  	_ =	shalt  }
0x58: {  	_ =	shalt  }
0x59: {  	_ =	shalt  }
0x5a: {  	_ =	shalt  }
0x5b: {  	_ =	shalt  }
0x5c: {  	_ =	shalt  }
0x5d: {  	_ =	shalt  }
0x5e: {  	_ =	shalt  }
0x5f: {  	_ =	shalt  }
0x60: {  	_ =	shalt  }
0x61: {  	_ =	shalt  }
0x62: {  	_ =	shalt  }
0x63: {  	_ =	shalt  }
0x64: {  	_ =	shalt  }
0x65: {  	_ =	shalt  }
0x66: {  	_ =	shalt  }
0x67: {  	_ =	shalt  }
0x68: {  	_ =	shalt  }
0x69: {  	_ =	shalt  }
0x6a: {  	_ =	shalt  }
0x6b: {  	_ =	shalt  }
0x6c: {  	_ =	shalt  }
0x6d: {  	_ =	shalt  }
0x6e: {  	_ =	shalt  }
0x6f: {  	_ =	shalt  }
0x70: {  	_ =	shalt  }
0x71: {  	_ =	shalt  }
0x72: {  	_ =	shalt  }
0x73: {  	_ =	shalt  }
0x74: {  	_ =	shalt  }
0x75: {  	_ =	shalt  }
0x76: {  	_ =	shalt  }
0x77: {  	_ =	shalt  }
0x78: {  	_ =	shalt  }
0x79: {  	_ =	shalt  }
0x7a: {  	_ =	shalt  }
0x7b: {  	_ =	shalt  }
0x7c: {  	_ =	shalt  }
0x7d: {  	_ =	shalt  }
0x7e: {  	_ =	shalt  }
0x7f: {  	_ =	shalt  }
0x80: {  	_ =	shalt  }
0x81: {  	_ =	shalt  }
0x82: {  	_ =	shalt  }
0x83: {  	_ =	shalt  }
0x84: {  	_ =	shalt  }
0x85: {  	_ =	shalt  }
0x86: {  	_ =	shalt  }
0x87: {  	_ =	shalt  }
.Lfunc_end0:
.L_simem_size_0:
called_computation_lowered:
.L_overlay_start_0:
0x88: {  	s2 =	sld [smem:$0x3FD9]  }
0x89: {  	s3 =	sld [smem:$0x3FFE];
	_ =	sdelay $0x1  }
0x8a: {  	s1 =	srdreg.scid  }
0x8b: {  	s0 =	sand.u32 $0x1, s1  }
0x8c: {  	s14 =	sshll.u32 s0, $0xA;
	s2 =	sadd.s32 s3, s2  }
0x8d: {  	s2 =	sadd.s32 s2, s14  }
0x8e: {  	[smem:$0x3FBE] =	sst s2  }
0x8f: {  	_ = 	snop  }
0x90: {  	s2 =	sld [smem:$0x3FD0];
	_ =	sdelay $0x2  }
0x91: {  	s15 =	simm.s32 $0xA;
	s4 =	simm.s32 $0x10  }
0x92: {  	[smem:s4], [sflag:s15] =	dma.local [hbm:s2], $0x1  }
0x93: {  	_ =	swait.eq [sflag:s15], $0x1  }
0x94: {  	[sflag:s15] =	ssyncset.done $0x0  }
0x95: {  	s16 =	sld [smem:$0x10];
	[sflag:s15] =	ssyncadd.s32 $0xFFFFFFFF  }
0x96: {  	s17 =	sld [smem:$0x11];
	(tm) =	ssettm $0x1  }
0x97: {  	s18 =	sld [smem:$0x3FFB];
	_ =	sdelay $0x3  }
0x98: {  	_ =	strace s18  }
0x99: {  	s4 =	sld [smem:$0x3FFC];
	_ =	sdelay $0x3  }
0x9a: {  	_ =	strace s4  }
0x9b: {  	s4 =	sld [smem:$0x3FFD];
	_ =	sdelay $0x3  }
0x9c: {  	_ =	strace s4  }
0x9d: {  	_ =	strace $0x8FFFFFFF  }
0x9e: {  	s19 =	sld [smem:$0x3FDB];
	_ =	sdelay $0x1  }
0x9f: {  	s5 =	simm.s32 $_scs_section_size  }
0xa0: {  	s6 =	simm.s32 $_size__tile_overlayer_lowered;
	s7 =	simm.s32 $_tile_overlayer_lowered  }
0xa1: {  	s22 =	simm.s32 $0x1BFF;
	s21 =	sshll.u32 s7, $0x1;
	s4 =	sadd.s32 s5, s19  }
0xa2: {  	s8 =	simm.s32 $0x0;
	s20 =	sshll.u32 s6, $0x1;
	s6 =	sadd.s32 s21, s4  }
0xa3: {  	[timem:s8], [sflag:s22] =	dma.local [hbm:s6], s20  }
0xa4: {  	_ =	swait.ge [sflag:s22], s20  }
0xa5: {  	s5 =	ssub.s32 $0x0, s20;
	[sflag:s22] =	ssyncset.done $0x0  }
0xa6: {  	[sflag:s22] =	ssyncadd.s32 s5;
	_ =	sdelay $0x1  }
0xa7: {  	s23 =	simm.s32 $0x1B8B  }
0xa8: {  	_ =	swait.ge [sflag:s23], $0x1  }
0xa9: {  	[sflag:s23] =	ssyncset.done $0x0  }
0xaa: {  	s25 =	simm.s32 $0x1B8E;
	s24 =	sld [smem:$0x3FFE];
	[sflag:s23] =	ssyncadd.s32 $0xFFFFFFFF  }
0xab: {  	s26 =	simm.s32 $execute0_lowered;
	[smem:$0x3FD2] =	sst s25  }
0xac: {  	s6 =	sshll.u32 s26, $0x1;
	_ =	strace $0x80000046;
	[dreg:$0x1] =	wrdreg $0xFFFFFFFF  }
0xad: {  	s28 =	simm.s32 $_size_execute0_lowered;
	s4 =	sadd.s32 s4, s6;
	[dreg:$0x0] =	wrdreg $0x0  }
0xae: {  	s6 =	sshll.u32 s28, $0x1;
	[dreg:$0x2] =	wrdreg s4  }
0xaf: {  	[dreg:$0x3] =	wrdreg s6  }
0xb0: {  	[dreg:$0x4] =	wrdreg $0xC0  }
0xb1: {  	_ =	task [dreg:s8], $0x5FFFF  }
0xb2: {  	[dreg:$0x1] =	wrdreg $0xFFFFFFFF  }
0xb3: {  	[dreg:$0x0] =	wrdreg $0x60  }
0xb4: {  	[dreg:$0x2] =	wrdreg s24  }
0xb5: {  	[dreg:$0x3] =	wrdreg s17  }
0xb6: {  	[dreg:$0x4] =	wrdreg s16  }
0xb7: {  	[dreg:$0x5] =	wrdreg $0x87F00  }
0xb8: {  	[dreg:$0x6] =	wrdreg $0x9  }
0xb9: {  	_ =	task.clear_ibuf [dreg:s8], $0x7FFFF;
	_ =	strace $0x90000046  }
0xba: {  	s29 =	simm.s32 $0x9;
	_ =	strace $0x80000048  }
0xbb: {  	_ =	swait.ge [sflag:s29], $0x1  }
0xbc: {  	[sflag:s29] =	ssyncadd.s32 $0xFFFFFFFF  }
0xbd: {  	_ =	strace $0x90000048  }
0xbe: {  	_ =	sfence  }
0xbf: {  	s30 =	sld [smem:$0x0];
	_ =	sdelay $0x2  }
0xc0: {  	s31 =	sshll.u32 s1, $0xD;
	s1 =	sshrl.u32 s1, $0x2  }
0xc1: {  	s3 =	sand.u32 $0x4000, s31;
	s1 =	sadd.s32 s1, s30  }
0xc2: {  	s0 =	sor.u32 s3, s0;
	s1 =	sshll.u32 s1, $0x11  }
0xc3: {  	s0 =	sor.u32 s1, s0  }
0xc4: {  	s0 =	sadd.s32 $0x8F2B, s0  }
0xc5: {  	[sflag:s0] =	ssyncadd.remote.s32 $0x1  }
0xc6: {  	_ =	sfence.sel $0xFFFF  }
0xc7: {  	[dreg:$0x0] =	wrdreg $0xFFFFFFFF;
	(pc) =	sbr.abs _section_cstart, $3  }
0xc8: {  	[dreg:$0x1] =	wrdreg $0xFFFFFFFF  }
0xc9: {  	_ =	task.clear_ibuf [dreg:s8], $0x2FFFF;
	_ =	strace $0x9FFFFFFF  }
0xca: {  	(tm) =	ssettm $0x7FFFFFFF  }
0xcb: {  	_ =	shalt  }
tec
execute0_lowered:
.L_overlay_start_1:
0x0: {  	(tag) =	ssettag $0x1  }
0x1: {  	s0 =	rddreg [dreg:$0x0]  }
0x2: {  	s1 =	rddreg [dreg:$0x1]  }
0x3: {  	s2 =	rddreg [dreg:$0x2]  }
0x4: {  	s3 =	rddreg [dreg:$0x3];
	s4 =	simm.s32 $0x0;
	s5 =	srdreg.scid  }
0x5: {  	s16 =	stileid.u32;
	s30 =	simm.s32 $0x5AF0;
	s31 =	simm.s32 $0x3  }
0x6: {  	[smem:$0x7FF] =	sst s4;
	s6 =	sadd.s32 $0x13C000, s0;
	s10 =	smul.u32 $0x5A000, s16  }
0x7: {  	s7 =	sadd.s32 $0x3800, s0;
	s5 =	sand.u32 $0x1, s5;
	s11 =	smul.u32 $0x280, s16  }
0x8: {  	s8 =	sadd.s32 $0x1EE0000, s0;
	s0 =	sadd.s32 $0x5B800, s0;
	s14 =	smul.u32 $0x2800, s5  }
0x9: {  	_ =	strace $0x80000047;
	s9 =	ssub.s32 $0x2, s5;
	s15 =	smul.u32 $0x2710, s5  }
0xa: {  	s12 =	sshrl.u32 s9, $0x1;
	s13 =	sshrl.u32 s10, $0x2;
	s25 =	sadd.s32 $0x24000, s10  }
0xb: {  	s26 =	sadd.s32 $0x36000, s10;
	s12 =	ssub.s32 s9, s12;
	s9 =	sadd.s32 s13, s3  }
0xc: {  	s10 =	sadd.s32 $0x48000, s10;
	s18 =	sadd.s32 s11, s14;
	s13 =	sadd.s32 $0x2D00, s9  }
0xd: {  	s11 =	sadd.s32 $0x80, s11;
	s17 =	sadd.s32 $0x5A00, s9;
	[dreg:$0x5] =	wrdreg s13  }
0xe: {  	s10 =	sshrl.u32 s10, $0x2;
	s19 =	sadd.s32 $0xB400, s9;
	[dreg:$0x6] =	wrdreg s17  }
0xf: {  	s14 =	sadd.s32 s14, s11;
	s20 =	sadd.s32 $0xE100, s9;
	[dreg:$0x8] =	wrdreg s19  }
0x10: {  	s11 =	smul.u32 $0x240, s11;
	s21 =	sadd.s32 $0x10E00, s9;
	[dreg:$0x9] =	wrdreg s20  }
0x11: {  	s22 =	sadd.s32 $0x13B00, s9;
	s10 =	sadd.s32 s10, s3;
	[dreg:$0xa] =	wrdreg s21  }
0x12: {  	s12 =	smax.u32 s12, $0x1;
	s13 =	smul.u32 $0x12, s18;
	[dreg:$0xb] =	wrdreg s22  }
0x13: {  	s17 =	sadd.s32 $0x8700, s9;
	s14 =	smul.u32 $0x12, s14;
	[dreg:$0xd] =	wrdreg s12  }
0x14: {  	s12 =	simm.s32 $0x1;
	[dreg:$0x7] =	wrdreg s17;
	s17 =	smul.u32 $0x4E200, s5  }
0x15: {  	s23 =	sshrl.u32 s11, $0x2;
	s5 =	sshrl.u32 s25, $0x2;
	s11 =	sshrl.u32 s26, $0x2  }
0x16: {  	s25 =	smul.u32 $0x4E20, s16;
	s18 =	sadd.s32 s0, s13;
	s0 =	sadd.s32 s0, s14  }
0x17: {  	s24 =	sadd.s32 s23, s3;
	s5 =	sadd.s32 s5, s3;
	s11 =	sadd.s32 s11, s3  }
0x18: {  	s13 =	simm.s32 $0x2;
	s14 =	simm.s32 $0x0;
	[dreg:$0xc] =	wrdreg s0  }
0x19: {  	s0 =	sshrl.u32 s24, $0x3;
	s22 =	sshrl.u32 s5, $0x3;
	s23 =	sshrl.u32 s11, $0x3  }
0x1a: {  	s24 =	sshrl.u32 s10, $0x3;
	s26 =	sadd.s32 $0x1200, s18;
	s28 =	sadd.s32 $0x1B00, s18  }
0x1b: {  	s29 =	sadd.s32 $0x2400, s18;
	s5 =	simm.s32 $0xA0;
	s10 =	simm.s32 $0xF0  }
0x1c: {  	v1 =	vimm.f32 $0.0e+00;
	v0 =	vmov s15;
	s11 =	simm.s32 $0x2DF0;
	[dreg:$0xe] =	wrdreg s0;
	s0 =	simm.s32 $0x50  }
.LBB2_1:
0x1d: {  	s15 =	simm.s32 $0x0;
	s16 =	simm.s32 $0x240  }
.LBB2_2:
0x1e: {  	p0 =	sne.s32 s16, $0xB1C0;
	[tilespmem:s15+$0x5B70] =	vst v1  }
0x1f: {  	[tilespmem:s15+$0x5AF0] =	vst v1  }
0x20: {  	[tilespmem:s15+$0x5B00] =	vst v1  }
0x21: {  	[tilespmem:s15+$0x5B10] =	vst v1  }
.Ltmp0:
0x22: {  	[tilespmem:s15+$0x5B20] =	vst v1;
	(pc) =	sbr.rel @p0 .LBB2_2-.Ltmp0, $4  }
0x23: {  	[tilespmem:s15+$0x5B30] =	vst v1  }
0x24: {  	[tilespmem:s15+$0x5B40] =	vst v1  }
0x25: {  	[tilespmem:s15+$0x5B50] =	vst v1  }
0x26: {  	[tilespmem:s15+$0x5B60] =	vst v1;
	s15 =	sshra.s32 s16, $0x2;
	s16 =	sadd.s32 $0x240, s16  }
0x27: {  	[tilespmem:s15+$0x5B70] =	vst v1  }
0x28: {  	[tilespmem:s15+$0x5AF0] =	vst v1  }
0x29: {  	[tilespmem:s15+$0x5B00] =	vst v1  }
0x2a: {  	[tilespmem:s15+$0x5B10] =	vst v1  }
0x2b: {  	[tilespmem:s15+$0x5B20] =	vst v1  }
0x2c: {  	[tilespmem:s15+$0x5B30] =	vst v1  }
0x2d: {  	[tilespmem:s15+$0x5B40] =	vst v1  }
0x2e: {  	[tilespmem:s15+$0x5B50] =	vst v1  }
0x2f: {  	[tilespmem:s15+$0x5B60] =	vst v1  }
0x30: {  	[spmem:s9] =	stream.linear.scatter [tilespmem:s30], [sflag:$0x3], $0x2D00, $0x38;
	[tilespmem:$0x1EFF0] =	vst v63  }
0x31: {  	_ =	swait.ge [sflag:s31], $0x2D00  }
0x32: {  	[sflag:s31] =	ssyncset.done $0x0  }
0x33: {  	s19 =	rddreg [dreg:$0x5];
	[sflag:s31] =	ssyncadd.s32 $0xFFFFD300  }
0x34: {  	[spmem:s19] =	stream.linear.scatter [tilespmem:s30], [sflag:$0x3], $0x2D00, $0x38;
	[tilespmem:$0x1EFF0] =	vst v63  }
0x35: {  	_ =	swait.ge [sflag:s31], $0x2D00  }
0x36: {  	[sflag:s31] =	ssyncset.done $0x0  }
0x37: {  	s20 =	rddreg [dreg:$0x6];
	[sflag:s31] =	ssyncadd.s32 $0xFFFFD300  }
0x38: {  	[spmem:s20] =	stream.linear.scatter [tilespmem:s30], [sflag:$0x3], $0x2D00, $0x38;
	[tilespmem:$0x1EFF0] =	vst v63  }
0x39: {  	_ =	swait.ge [sflag:s31], $0x2D00  }
0x3a: {  	[sflag:s31] =	ssyncset.done $0x0  }
0x3b: {  	s21 =	rddreg [dreg:$0x7];
	[sflag:s31] =	ssyncadd.s32 $0xFFFFD300  }
0x3c: {  	[spmem:s21] =	stream.linear.scatter [tilespmem:s30], [sflag:$0x3], $0x2D00, $0x38;
	[tilespmem:$0x1EFF0] =	vst v63  }
0x3d: {  	_ =	swait.ge [sflag:s31], $0x2D00  }
0x3e: {  	[sflag:s31] =	ssyncset.done $0x0  }
0x3f: {  	s16 =	rddreg [dreg:$0x8];
	[sflag:s31] =	ssyncadd.s32 $0xFFFFD300  }
0x40: {  	[spmem:s16] =	stream.linear.scatter [tilespmem:s30], [sflag:$0x3], $0x2D00, $0x38;
	[tilespmem:$0x1EFF0] =	vst v63  }
0x41: {  	_ =	swait.ge [sflag:s31], $0x2D00  }
0x42: {  	[sflag:s31] =	ssyncset.done $0x0  }
0x43: {  	s19 =	rddreg [dreg:$0x9];
	[sflag:s31] =	ssyncadd.s32 $0xFFFFD300  }
0x44: {  	[spmem:s19] =	stream.linear.scatter [tilespmem:s30], [sflag:$0x3], $0x2D00, $0x38;
	[tilespmem:$0x1EFF0] =	vst v63  }
0x45: {  	_ =	swait.ge [sflag:s31], $0x2D00  }
0x46: {  	[sflag:s31] =	ssyncset.done $0x0  }
0x47: {  	s20 =	rddreg [dreg:$0xa];
	[sflag:s31] =	ssyncadd.s32 $0xFFFFD300  }
0x48: {  	[spmem:s20] =	stream.linear.scatter [tilespmem:s30], [sflag:$0x3], $0x2D00, $0x38;
	[tilespmem:$0x1EFF0] =	vst v63  }
0x49: {  	_ =	swait.ge [sflag:s31], $0x2D00  }
0x4a: {  	[sflag:s31] =	ssyncset.done $0x0  }
0x4b: {  	s21 =	rddreg [dreg:$0xb];
	[sflag:s31] =	ssyncadd.s32 $0xFFFFD300  }
0x4c: {  	[spmem:s21] =	stream.linear.scatter [tilespmem:s30], [sflag:$0x3], $0x2D00, $0x38;
	[tilespmem:$0x1EFF0] =	vst v63  }
0x4d: {  	_ =	swait.ge [sflag:s31], $0x2D00  }
0x4e: {  	[sflag:s31] =	ssyncset.done $0x0  }
0x4f: {  	[sflag:s31] =	ssyncadd.s32 $0xFFFFD300  }
0x50: {  	s15 =	simm.s32 $0x0;
	s16 =	simm.s32 $0x0;
	[bflag:$0x0] =	sbarrier.arrive $0xFFFF  }
.LBB2_4:
0x51: {  	s19 =	smul.u32 $0x50, s16;
	_ =	sdelay $0x1  }
0x52: {  	s19 =	sadd.s32 s25, s19  }
0x53: {  	s20 =	sshrl.u32 s19, $0x3  }
0x54: {  	s21 =	sadd.s32 s2, s20  }
0x55: {  	[tilespmem:s15], [sflag:$0x3] =	stream.linear.gather [hbm4b:s21+s15], $0x50, $0x38;
	[tilespmem:$0x1EFF0] =	vst v63  }
0x56: {  	_ =	swait.ge [sflag:s31], $0x50  }
0x57: {  	[sflag:s31] =	ssyncset.done $0x0  }
0x58: {  	s20 =	sadd.s32 s1, s20;
	[sflag:s31] =	ssyncadd.s32 $0xFFFFFFB0  }
0x59: {  	[tilespmem:s0], [sflag:$0x3] =	stream.linear.gather [hbm4b:s20+s15], $0x50, $0x38;
	[tilespmem:$0x1EFF0] =	vst v63  }
0x5a: {  	_ =	swait.ge [sflag:s31], $0x50  }
0x5b: {  	[sflag:s31] =	ssyncset.done $0x0  }
0x5c: {  	[sflag:s31] =	ssyncadd.s32 $0xFFFFFFB0  }
0x5d: {  	v2 =	vld [tilespmem:$0x0]  }
0x5e: {  	v3 =	vld [tilespmem:$0x50]  }
0x5f: {  	v4 =	vld [tilespmem:$0x10]  }
0x60: {  	v5 =	vld [tilespmem:$0x60]  }
0x61: {  	v6 =	vld [tilespmem:$0x20]  }
0x62: {  	v7 =	vld [tilespmem:$0x70];
	v2 =	vadd.s32 v0, v2  }
0x63: {  	[tilespmem:$0xA0] =	vst v2;
	v2 =	vadd.s32 v0, v3;
	v3 =	vld [tilespmem:$0x30]  }
0x64: {  	[tilespmem:$0x50] =	vst v2;
	v2 =	vadd.s32 v0, v4;
	v4 =	vld [tilespmem:$0x80]  }
0x65: {  	[tilespmem:$0xB0] =	vst v2;
	v2 =	vadd.s32 v0, v5;
	v5 =	vld [tilespmem:$0x40]  }
0x66: {  	[tilespmem:$0x60] =	vst v2;
	v2 =	vadd.s32 v0, v6;
	v6 =	vld [tilespmem:$0x90]  }
0x67: {  	[tilespmem:$0xC0] =	vst v2;
	v2 =	vadd.s32 v0, v7  }
0x68: {  	[tilespmem:$0x70] =	vst v2;
	v2 =	vadd.s32 v0, v3  }
0x69: {  	[tilespmem:$0xD0] =	vst v2;
	v2 =	vadd.s32 v0, v4  }
0x6a: {  	[tilespmem:$0x80] =	vst v2;
	v2 =	vadd.s32 v0, v5  }
0x6b: {  	[tilespmem:$0xE0] =	vst v2;
	v2 =	vadd.s32 v0, v6  }
0x6c: {  	s19 =	sadd.s32 s17, s19;
	[tilespmem:$0x90] =	vst v2  }
0x6d: {  	[tilespmem:s10], [sflag:$0x1] =	stream.indirect.gather [hbm4b:s6+s0], $0x90, s5, s0, $0xb8;
	[tilespmem:$0x1EFF0] =	vst v63  }
0x6e: {  	s19 =	smul.u32 $0x12, s19  }
0x6f: {  	[tilespmem:s11], [sflag:$0x2] =	stream.indirect.gather [hbm4b:s7+s0], $0x90, s0, s0, $0xb8;
	[tilespmem:$0x1EFF0] =	vst v63  }
0x70: {  	s19 =	sadd.s32 s8, s19  }
0x71: {  	[tilespmem:s30], [sflag:$0x3] =	stream.linear.gather [hbm4b:s19+s15], $0x2D00, $0x38;
	[tilespmem:$0x1EFF0] =	vst v63  }
0x72: {  	_ =	swait.ge [sflag:s31], $0x2D00  }
0x73: {  	[sflag:s31] =	ssyncset.done $0x0  }
0x74: {  	[sflag:s31] =	ssyncadd.s32 $0xFFFFD300  }
0x75: {  	_ =	swait.ge [sflag:s12], $0x2D00  }
0x76: {  	[sflag:s12] =	ssyncset.done $0x0  }
0x77: {  	[sflag:s12] =	ssyncadd.s32 $0xFFFFD300  }
0x78: {  	_ =	swait.ge [sflag:s13], $0x2D00  }
0x79: {  	[sflag:s13] =	ssyncset.done $0x0  }
0x7a: {  	s19 =	simm.s32 $0x0;
	[sflag:s13] =	ssyncadd.s32 $0xFFFFD300  }
0x7b: {  	v14 =	vld [tilespmem:s19+$0x5AF0]  }
0x7c: {  	v7 =	vld [tilespmem:s19+$0x5B00]  }
0x7d: {  	v6 =	vld [tilespmem:s19+$0x5B10]  }
0x7e: {  	v5 =	vld [tilespmem:s19+$0x5B20]  }
0x7f: {  	v4 =	vld [tilespmem:s19+$0x5B30]  }
0x80: {  	v3 =	vld [tilespmem:s19+$0x5B40]  }
0x81: {  	v2 =	vld [tilespmem:s19+$0x5B50]  }
0x82: {  	v15 =	vld [tilespmem:s19+$0x2DF0]  }
0x83: {  	v19 =	vld [tilespmem:s19+$0x2E00]  }
0x84: {  	v22 =	vld [tilespmem:s19+$0x2E10]  }
0x85: {  	v13 =	vld [tilespmem:s19+$0x2E20]  }
0x86: {  	v12 =	vld [tilespmem:s19+$0x2E30]  }
0x87: {  	v11 =	vld [tilespmem:s19+$0x2E40]  }
0x88: {  	v10 =	vld [tilespmem:s19+$0x2E50]  }
0x89: {  	v9 =	vld [tilespmem:s19+$0x2E60]  }
0x8a: {  	v8 =	vld [tilespmem:s19+$0x2E70]  }
0x8b: {  	v16 =	vld [tilespmem:s19+$0xF0]  }
0x8c: {  	v20 =	vld [tilespmem:s19+$0x100]  }
0x8d: {  	v23 =	vld [tilespmem:s19+$0x110]  }
0x8e: {  	v18 =	vld [tilespmem:s19+$0x120]  }
0x8f: {  	v17 =	vld [tilespmem:s19+$0x130]  }
0x90: {  	v24 =	vadd.f32 v15, v16;
	v16 =	vld [tilespmem:s19+$0x140]  }
0x91: {  	v21 =	vadd.f32 v19, v20;
	v15 =	vld [tilespmem:s19+$0x150]  }
0x92: {  	s20 =	simm.s32 $0x240;
	v19 =	vadd.f32 v22, v23;
	v20 =	vadd.f32 v14, v24;
	v14 =	vld [tilespmem:s19+$0x160]  }
.LBB2_5:
0x93: {  	p0 =	sne.s32 s20, $0xB1C0;
	v7 =	vadd.f32 v7, v21;
	v13 =	vadd.f32 v13, v18;
	v18 =	vld [tilespmem:s19+$0x170]  }
0x94: {  	v20 =	vmax.f32 v20, $0.0e+00;
	v6 =	vadd.f32 v6, v19;
	v12 =	vadd.f32 v12, v17;
	v17 =	vld [tilespmem:s19+$0x5B60]  }
0x95: {  	s21 =	sshra.s32 s20, $0x2;
	[tilespmem:s19+$0xF0] =	vst v20;
	v7 =	vmax.f32 v7, $0.0e+00;
	v5 =	vadd.f32 v5, v13;
	v11 =	vadd.f32 v11, v16;
	v13 =	vld [tilespmem:s19+$0x5B70]  }
0x96: {  	v19 =	vld [tilespmem:s21+$0x5AF0];
	[tilespmem:s19+$0x100] =	vst v7;
	v6 =	vmax.f32 v6, $0.0e+00;
	v4 =	vadd.f32 v4, v12;
	v10 =	vadd.f32 v10, v15  }
0x97: {  	v7 =	vld [tilespmem:s21+$0x5B00];
	[tilespmem:s19+$0x110] =	vst v6;
	v5 =	vmax.f32 v5, $0.0e+00;
	v3 =	vadd.f32 v3, v11;
	v9 =	vadd.f32 v9, v14  }
0x98: {  	v6 =	vld [tilespmem:s21+$0x5B10];
	[tilespmem:s19+$0x120] =	vst v5;
	v4 =	vmax.f32 v4, $0.0e+00;
	v2 =	vadd.f32 v2, v10;
	v8 =	vadd.f32 v8, v18  }
0x99: {  	v5 =	vld [tilespmem:s21+$0x5B20];
	[tilespmem:s19+$0x130] =	vst v4;
	v3 =	vmax.f32 v3, $0.0e+00;
	v9 =	vadd.f32 v17, v9  }
0x9a: {  	v4 =	vld [tilespmem:s21+$0x5B30];
	[tilespmem:s19+$0x140] =	vst v3;
	v2 =	vmax.f32 v2, $0.0e+00;
	v8 =	vadd.f32 v13, v8  }
0x9b: {  	v3 =	vld [tilespmem:s21+$0x5B40];
	[tilespmem:s19+$0x150] =	vst v2;
	v9 =	vmax.f32 v9, $0.0e+00  }
0x9c: {  	v2 =	vld [tilespmem:s21+$0x5B50];
	[tilespmem:s19+$0x160] =	vst v9;
	v8 =	vmax.f32 v8, $0.0e+00  }
0x9d: {  	v14 =	vld [tilespmem:s21+$0x2DF0];
	[tilespmem:s19+$0x170] =	vst v8;
	s19 =	smov.u32 s21  }
0x9e: {  	v15 =	vld [tilespmem:s19+$0x2E00]  }
0x9f: {  	v22 =	vld [tilespmem:s19+$0x2E10]  }
0xa0: {  	v13 =	vld [tilespmem:s19+$0x2E20]  }
0xa1: {  	v12 =	vld [tilespmem:s19+$0x2E30]  }
0xa2: {  	v11 =	vld [tilespmem:s19+$0x2E40]  }
0xa3: {  	v10 =	vld [tilespmem:s19+$0x2E50]  }
0xa4: {  	v9 =	vld [tilespmem:s19+$0x2E60]  }
0xa5: {  	v8 =	vld [tilespmem:s19+$0x2E70]  }
0xa6: {  	v16 =	vld [tilespmem:s19+$0xF0]  }
0xa7: {  	v20 =	vld [tilespmem:s19+$0x100]  }
0xa8: {  	v23 =	vld [tilespmem:s19+$0x110]  }
.Ltmp1:
0xa9: {  	v18 =	vld [tilespmem:s19+$0x120];
	(pc) =	sbr.rel @p0 .LBB2_5-.Ltmp1, $4  }
0xaa: {  	v17 =	vld [tilespmem:s19+$0x130]  }
0xab: {  	v14 =	vadd.f32 v14, v16;
	v16 =	vld [tilespmem:s19+$0x140]  }
0xac: {  	v21 =	vadd.f32 v15, v20;
	v15 =	vld [tilespmem:s19+$0x150]  }
0xad: {  	s20 =	sadd.s32 $0x240, s20;
	v20 =	vadd.f32 v19, v14;
	v19 =	vadd.f32 v22, v23;
	v14 =	vld [tilespmem:s19+$0x160]  }
0xae: {  	v22 =	vld [tilespmem:s19+$0x170];
	v7 =	vadd.f32 v7, v21;
	v13 =	vadd.f32 v13, v18  }
0xaf: {  	v58 =	vld [tilespmem:s19+$0x5B60];
	v57 =	vmax.f32 v20, $0.0e+00;
	v6 =	vadd.f32 v6, v19;
	v12 =	vadd.f32 v12, v17  }
0xb0: {  	v59 =	vld [tilespmem:s19+$0x5B70];
	[tilespmem:s19+$0xF0] =	vst v57;
	v7 =	vmax.f32 v7, $0.0e+00;
	v5 =	vadd.f32 v5, v13;
	v11 =	vadd.f32 v11, v16  }
0xb1: {  	[tilespmem:s19+$0x100] =	vst v7;
	v6 =	vmax.f32 v6, $0.0e+00;
	v4 =	vadd.f32 v4, v12;
	v60 =	vadd.f32 v10, v15  }
0xb2: {  	[tilespmem:s19+$0x110] =	vst v6;
	v5 =	vmax.f32 v5, $0.0e+00;
	v3 =	vadd.f32 v3, v11;
	v61 =	vadd.f32 v9, v14  }
0xb3: {  	[tilespmem:s19+$0x120] =	vst v5;
	v4 =	vmax.f32 v4, $0.0e+00;
	v2 =	vadd.f32 v2, v60;
	v62 =	vadd.f32 v8, v22  }
0xb4: {  	[tilespmem:s19+$0x130] =	vst v4;
	v3 =	vmax.f32 v3, $0.0e+00;
	v63 =	vadd.f32 v58, v61  }
0xb5: {  	[tilespmem:s19+$0x140] =	vst v3;
	v2 =	vmax.f32 v2, $0.0e+00;
	v3 =	vadd.f32 v59, v62  }
0xb6: {  	s16 =	sadd.s32 $0x1, s16;
	[tilespmem:s19+$0x150] =	vst v2;
	v2 =	vmax.f32 v63, $0.0e+00  }
0xb7: {  	p0 =	sne.s32 s16, $0xFA;
	[tilespmem:s19+$0x160] =	vst v2;
	v2 =	vmax.f32 v3, $0.0e+00  }
.Ltmp2:
0xb8: {  	[tilespmem:s19+$0x170] =	vst v2;
	(pc) =	sbr.rel @p0 .LBB2_4-.Ltmp2, $4  }
0xb9: {  	[spmem:s3] =	stream.indirect.scatter.add.f32 [tilespmem:s10], [sflag:$0x3], $0x90, s4, s0, $0xb8;
	[tilespmem:$0x1EFF0] =	vst v63  }
0xba: {  	_ =	swait.ge [sflag:s31], $0x2D00  }
0xbb: {  	[sflag:s31] =	ssyncset.done $0x0  }
0xbc: {  	[sflag:s31] =	ssyncadd.s32 $0xFFFFD300  }
0xbd: {  	s15 =	stileid.u32  }
0xbe: {  	s15 =	sshll.u32 s15, $0x6  }
0xbf: {  	[bflag:$0x0] =	sbarrier.arrive $0xFFFF;
	s16 =	sshrl.u32 s9, $0x3;
	s15 =	sor.u32 $0x1C03, s15  }
0xc0: {  	[hbm:s18], [sflag:s15] =	dma.local [spmem:s16], $0x900  }
0xc1: {  	_ =	swait.ge [sflag:s31], $0x900  }
0xc2: {  	[sflag:s31] =	ssyncset.done $0x0;
	s20 =	rddreg [dreg:$0xc]  }
0xc3: {  	s19 =	rddreg [dreg:$0xe];
	[sflag:s31] =	ssyncadd.s32 $0xFFFFF700  }
0xc4: {  	[hbm:s20], [sflag:s15] =	dma.local [spmem:s19], $0x900  }
0xc5: {  	_ =	swait.ge [sflag:s31], $0x900  }
0xc6: {  	[sflag:s31] =	ssyncset.done $0x0  }
0xc7: {  	[sflag:s31] =	ssyncadd.s32 $0xFFFFF700  }
0xc8: {  	[hbm:s26], [sflag:s15] =	dma.local [spmem:s22], $0x900  }
0xc9: {  	_ =	swait.ge [sflag:s31], $0x900  }
0xca: {  	[sflag:s31] =	ssyncset.done $0x0  }
0xcb: {  	[sflag:s31] =	ssyncadd.s32 $0xFFFFF700  }
0xcc: {  	[hbm:s28], [sflag:s15] =	dma.local [spmem:s23], $0x900  }
0xcd: {  	_ =	swait.ge [sflag:s31], $0x900  }
0xce: {  	[sflag:s31] =	ssyncset.done $0x0  }
0xcf: {  	[sflag:s31] =	ssyncadd.s32 $0xFFFFF700  }
0xd0: {  	[hbm:s29], [sflag:s15] =	dma.local [spmem:s24], $0x900  }
0xd1: {  	_ =	swait.ge [sflag:s31], $0x900  }
0xd2: {  	s14 =	sadd.s32 $0x1, s14;
	s21 =	rddreg [dreg:$0xd]  }
0xd3: {  	p0 =	sne.s32 s14, s21  }
.Ltmp3:
0xd4: {  	_ = 	snop;
	(pc) =	sbr.rel @p0 .LBB2_1-.Ltmp3, $3  }
0xd5: {  	_ =	sdelay $0x1  }
0xd6: {  	[sflag:s31] =	ssyncset.done $0x0  }
0xd7: {  	[sflag:s31] =	ssyncadd.s32 $0xFFFFF700  }
0xd8: {  	_ =	sfence.sel $0x180000  }
0xd9: {  	[bflag:$0x0] =	sbarrier.arrive $0xFFFF  }
0xda: {  	_ =	strace $0x90000047  }
0xdb: {  	s0 =	stileid.u32;
	[bflag:$0x2] =	sbarrier.arrive $0xFFFF  }
0xdc: {  	p0 =	sne.s32 s0, $0x0;
	s0 =	rddreg [dreg:$0x4]  }
0xdd: {  	s0 =	sadd.s32 @!p0 $0x100000, s0  }
0xde: {  	[sflag:s0] =	ssyncadd.tile.s32 @!p0 $0x1;
	_ =	shalt  }
.Lfunc_end2:
_tile_overlayer_lowered:
.L_overlay_start_2:
0xdf: {  	(tag) =	ssettag $0x2  }
0xe0: {  	s0 =	rddreg [dreg:$0x0];
	s2 =	stileid.u32  }
0xe1: {  	s1 =	rddreg [dreg:$0x1];
	p0 =	sne.s32 s2, $0x0  }
0xe2: {  	s3 =	rddreg [dreg:$0x2];
	[bflag:$0x3] =	sbarrier.arrive $0xFFFF;
	s2 =	simm.s32 @!p0 $0x1C03  }
0xe3: {  	[timem:s3], [sflag:s2] =	dma.local @!p0 [hbm:s0], s1  }
0xe4: {  	s0 =	simm.s32 @!p0 $0x3  }
0xe5: {  	_ =	swait.ge @!p0 [sflag:s0], s1  }
0xe6: {  	s1 =	ssub.s32 @!p0 $0x0, s1;
	[sflag:s0] =	ssyncset.done @!p0 $0x0  }
0xe7: {  	[sflag:s0] =	ssyncadd.s32 @!p0 s1  }
0xe8: {  	[bflag:$0x3] =	sbarrier.arrive $0xFFFF  }
0xe9: {  	_ =	shalt  }

</sc_bundles>
